<compile_context>
chip_gen: v7x
topology: tpu7x:2x2x1
jax: 0.10.2.dev20260603
libtpu: 0.0.44.dev20260713+nightly
codegen_flags: <defaults>
</compile_context>

<pallas_src>
import jax
import jax.numpy as jnp
from jax import lax
from jax.experimental import pallas as pl
from jax.experimental.pallas import tpu as pltpu
from jax.experimental.pallas import tpu_sc as plsc

B = 4
S = 4096
D = 1024
NC = 2
NS = 16
NW = NC * NS
CHUNK = S // NW
ROWS = 8
NBLK = CHUNK // ROWS
NVEC = D // 16


def _body(x_hbm, scale_hbm, pos_hbm, tse_hbm, out_hbm,
          xbuf, posbuf, trow, idxv, isem0, isem1, osem0, osem1, gsem):
    wid = lax.axis_index("s") * NC + lax.axis_index("c")
    base = wid * CHUNK
    isem = (isem0, isem1)
    osem = (osem0, osem1)

    pltpu.sync_copy(scale_hbm, idxv)
    pltpu.async_copy(tse_hbm.at[idxv], trow, gsem).wait()

    def in_descs(buf, blk):
        s0 = base + blk * ROWS
        return (
            pltpu.make_async_copy(pos_hbm.at[pl.ds(s0, ROWS)],
                                  posbuf.at[buf], isem[buf]),
            pltpu.make_async_copy(x_hbm.at[:, pl.ds(s0, ROWS)],
                                  xbuf.at[buf], isem[buf]),
        )

    def out_desc(buf, blk):
        s0 = base + blk * ROWS
        return pltpu.make_async_copy(xbuf.at[buf],
                                     out_hbm.at[:, pl.ds(s0, ROWS)],
                                     osem[buf])

    def fire_in(buf, blk):
        for d in in_descs(buf, blk):
            d.start()

    def drain_in(buf, blk):
        for d in in_descs(buf, blk):
            d.wait()

    def compute(buf):
        def jblock(j, carry):
            dj = pl.ds(pl.multiple_of(j * 16, 16), 16)
            tv = trow[0, dj]
            pvs = [posbuf[buf, s, dj] + tv for s in range(ROWS)]
            for s in range(ROWS):
                for b in range(B):
                    plsc.addupdate(xbuf.at[buf, b, s, dj], pvs[s])
            return carry
        lax.fori_loop(0, NVEC, jblock, 0)

    fire_in(0, 0)

    def step(it, carry):
        for phase in range(2):
            blk = it * 2 + phase
            cur, nxt = phase, 1 - phase

            @pl.when(blk >= 1)
            def _():
                out_desc(nxt, blk - 1).wait()

            @pl.when(blk + 1 < NBLK)
            def _():
                fire_in(nxt, blk + 1)

            drain_in(cur, blk)
            compute(cur)
            out_desc(cur, blk).start()
        return carry

    lax.fori_loop(0, NBLK // 2, step, 0)
    out_desc((NBLK - 1) % 2, NBLK - 1).wait()


@jax.jit
def _run(x, scale_arr, pos_embedding, tse):
    mesh = plsc.VectorSubcoreMesh(core_axis_name="c", subcore_axis_name="s")
    kfn = pl.kernel(
        _body,
        out_type=jax.ShapeDtypeStruct((B, S, D), jnp.float32),
        mesh=mesh,
        scratch_types=[
            pltpu.VMEM((2, B, ROWS, D), jnp.float32),
            pltpu.VMEM((2, ROWS, D), jnp.float32),
            pltpu.VMEM((1, D), jnp.float32),
            pltpu.VMEM((1,), jnp.int32),
            pltpu.SemaphoreType.DMA,
            pltpu.SemaphoreType.DMA,
            pltpu.SemaphoreType.DMA,
            pltpu.SemaphoreType.DMA,
            pltpu.SemaphoreType.DMA,
        ],
    )
    return kfn(x, scale_arr, pos_embedding, tse)


def kernel(x, time_scale, pos_embedding, time_scale_embedding):
    ts = jnp.asarray(time_scale).astype(jnp.float32)
    scale_idx = jnp.minimum(jnp.log2(ts).astype(jnp.int32), 9)
    scale_arr = scale_idx.reshape((1,)).astype(jnp.int32)
    return _run(x, scale_arr, pos_embedding, time_scale_embedding)

# --- scband reference (transcript-rebuilt; emitter-appended) ---
"""Pipeline reference for scband-dynamic-positional-encoding-40003325395494 (READ-ONLY COPY).

The authoritative reference and input builder live on the scoring server;
editing this copy changes nothing except your own understanding.
"""

import jax, jax.numpy as jnp
import numpy as np
import math

D_MODEL = 1024
MAX_LEN = 8192
BATCH = 4
SEQ_LEN = 4096

def setup_inputs(seed: int = 0) -> dict:
    key = jax.random.key(seed)
    k1, k2, k3 = jax.random.split(key, 3)
    x = jax.random.normal(k1, (BATCH, SEQ_LEN, D_MODEL), dtype=jnp.float32)
    pos_embedding = jax.random.normal(k2, (MAX_LEN, D_MODEL), dtype=jnp.float32) * 0.1
    time_scale_embedding = jax.random.normal(k3, (10, D_MODEL), dtype=jnp.float32) * 0.1
    return {"x": x, "time_scale": 4, "pos_embedding": pos_embedding, "time_scale_embedding": time_scale_embedding}

def reference(x, time_scale, pos_embedding, time_scale_embedding):
    batch_size, seq_len, d_model = x.shape
    # pos_embedding[:seq_len].unsqueeze(0).expand(batch, -1, -1)
    pos_enc = pos_embedding[:seq_len][None, :, :]
    # scale_idx = min(int(log2(time_scale)), 9)
    scale_idx = jnp.minimum(jnp.log2(jnp.asarray(time_scale).astype(jnp.float32)).astype(jnp.int32), 9)
    # time_scale_embedding[scale_idx] broadcast to [batch, seq, d_model]
    time_enc = time_scale_embedding[scale_idx][None, None, :]
    return x + pos_enc + time_enc

if __name__ == "__main__":
    import jax
    _d = setup_inputs()
    print(jax.jit(kernel)(*tuple(_d.values())))

</pallas_src>

<mosaic_0001>
#map = affine_map<(d0, d1) -> (0, 0, 0)>
#map1 = affine_map<(d0, d1) -> (0)>
#map2 = affine_map<(d0, d1) -> (0, 0)>
module attributes {stable_mosaic.version = 14 : i64} {
  func.func @_body(%arg0: i32, %arg1: i32, %arg2: memref<4x4096x1024xf32, #tpu.memory_space<hbm>>, %arg3: memref<1xi32, #tpu.memory_space<hbm>>, %arg4: memref<8192x1024xf32, #tpu.memory_space<hbm>>, %arg5: memref<10x1024xf32, #tpu.memory_space<hbm>>, %arg6: memref<4x4096x1024xf32, #tpu.memory_space<hbm>>, %arg7: memref<2x4x8x1024xf32, #tpu.memory_space<vmem>>, %arg8: memref<2x8x1024xf32, #tpu.memory_space<vmem>>, %arg9: memref<1x1024xf32, #tpu.memory_space<vmem>>, %arg10: memref<1xi32, #tpu.memory_space<vmem>>, %arg11: memref<!tpu.dma_semaphore, #tpu.memory_space<semaphore_mem>>, %arg12: memref<!tpu.dma_semaphore, #tpu.memory_space<semaphore_mem>>, %arg13: memref<!tpu.dma_semaphore, #tpu.memory_space<semaphore_mem>>, %arg14: memref<!tpu.dma_semaphore, #tpu.memory_space<semaphore_mem>>, %arg15: memref<!tpu.dma_semaphore, #tpu.memory_space<semaphore_mem>>) attributes {dimension_semantics = [#tpu.dimension_semantics<core_parallel>, #tpu.dimension_semantics<subcore_parallel>], iteration_bounds = array<i64: 2, 16>, scalar_prefetch = 0 : i64, scratch_operands = 9 : i64, tpu.core_type = #tpu.core_type<sc_vector_subcore>, window_params = [{transform_indices = #map}, {transform_indices = #map1}, {transform_indices = #map2}, {transform_indices = #map2}, {transform_indices = #map}]} {
    %mul3A = arith.constant 2 : i32
    %mul3A_0 = arith.muli %arg1, %mul3A : i32
    %add3A = arith.addi %mul3A_0, %arg0 : i32
    %mul3A_1 = arith.constant 128 : i32
    %mul3A_2 = arith.muli %add3A, %mul3A_1 : i32
    "tpu.region"() ({
      %run_scoped3A = tpu.sem_alloc : memref<!tpu.dma_semaphore, #tpu.memory_space<semaphore_mem>>
      tpu.enqueue_dma source(%arg3 : memref<1xi32, #tpu.memory_space<hbm>>) target(%arg10 : memref<1xi32, #tpu.memory_space<vmem>>) target_semaphore(%run_scoped3A : memref<!tpu.dma_semaphore, #tpu.memory_space<semaphore_mem>>)
      tpu.wait_dma2 semaphore(%run_scoped3A : memref<!tpu.dma_semaphore, #tpu.memory_space<semaphore_mem>>) src(%arg3 : memref<1xi32, #tpu.memory_space<hbm>>) dst(%arg10 : memref<1xi32, #tpu.memory_space<vmem>>)
      tpu.yield
    }) : () -> ()
    %dma_start3A = arith.constant 0 : i32
    %dma_start3A_3 = arith.constant 0 : i32
    %dma_start3A_4 = tpu.memref_slice %arg5[%dma_start3A, %dma_start3A_3] : memref<10x1024xf32, #tpu.memory_space<hbm>> -> memref<10x1024xf32, #tpu.memory_space<hbm>>
    tpu.enqueue_indirect_dma source(%dma_start3A_4 : memref<10x1024xf32, #tpu.memory_space<hbm>>) target(%arg9 : memref<1x1024xf32, #tpu.memory_space<vmem>>) offsets(%arg10 : memref<1xi32, #tpu.memory_space<vmem>>) semaphore(%arg15 : memref<!tpu.dma_semaphore, #tpu.memory_space<semaphore_mem>>)
    %dma_wait3A = arith.constant 0 : i32
    %dma_wait3A_5 = arith.constant 0 : i32
    %dma_wait3A_6 = tpu.memref_slice %arg5[%dma_wait3A, %dma_wait3A_5] : memref<10x1024xf32, #tpu.memory_space<hbm>> -> memref<10x1024xf32, #tpu.memory_space<hbm>>
    tpu.wait_indirect_dma semaphore(%arg15 : memref<!tpu.dma_semaphore, #tpu.memory_space<semaphore_mem>>) src(%dma_wait3A_6 : memref<10x1024xf32, #tpu.memory_space<hbm>>) dst(%arg9 : memref<1x1024xf32, #tpu.memory_space<vmem>>)
    %add3A_7 = arith.constant 0 : i32
    %add3A_8 = arith.addi %mul3A_2, %add3A_7 : i32
    %dma_start3A_9 = arith.constant 0 : i32
    %dma_start3A_10 = arith.constant 0 : i32
    %dma_start3A_11 = arith.constant 0 : i32
    %dma_start3A_12 = tpu.memref_slice %arg8[%dma_start3A_9, %dma_start3A_10, %dma_start3A_11] : memref<2x8x1024xf32, #tpu.memory_space<vmem>> -> memref<1x8x1024xf32, #tpu.memory_space<vmem>>
    %dma_start3A_13 = tpu.memref_squeeze %dma_start3A_12 : memref<1x8x1024xf32, #tpu.memory_space<vmem>> -> memref<8x1024xf32, #tpu.memory_space<vmem>>
    %dma_start3A_14 = arith.constant 0 : i32
    %dma_start3A_15 = tpu.memref_slice %arg4[%add3A_8, %dma_start3A_14] : memref<8192x1024xf32, #tpu.memory_space<hbm>> -> memref<8x1024xf32, #tpu.memory_space<hbm>>
    %dma_start3A_16 = arith.constant 0 : i32
    %dma_start3A_17 = arith.constant 0 : i32
    %dma_start3A_18 = tpu.memref_slice %arg8[%dma_start3A_9, %dma_start3A_16, %dma_start3A_17] : memref<2x8x1024xf32, #tpu.memory_space<vmem>> -> memref<1x8x1024xf32, #tpu.memory_space<vmem>>
    %dma_start3A_19 = tpu.memref_squeeze %dma_start3A_18 : memref<1x8x1024xf32, #tpu.memory_space<vmem>> -> memref<8x1024xf32, #tpu.memory_space<vmem>>
    %dma_start3A_20 = arith.constant 0 : i32
    %dma_start3A_21 = tpu.memref_slice %arg4[%add3A_8, %dma_start3A_20] : memref<8192x1024xf32, #tpu.memory_space<hbm>> -> memref<8x1024xf32, #tpu.memory_space<hbm>>
    tpu.enqueue_dma source(%dma_start3A_21 : memref<8x1024xf32, #tpu.memory_space<hbm>>) target(%dma_start3A_19 : memref<8x1024xf32, #tpu.memory_space<vmem>>) target_semaphore(%arg11 : memref<!tpu.dma_semaphore, #tpu.memory_space<semaphore_mem>>)
    %dma_start3A_22 = arith.constant 0 : i32
    %dma_start3A_23 = arith.constant 0 : i32
    %dma_start3A_24 = arith.constant 0 : i32
    %dma_start3A_25 = arith.constant 0 : i32
    %dma_start3A_26 = tpu.memref_slice %arg7[%dma_start3A_22, %dma_start3A_23, %dma_start3A_24, %dma_start3A_25] : memref<2x4x8x1024xf32, #tpu.memory_space<vmem>> -> memref<1x4x8x1024xf32, #tpu.memory_space<vmem>>
    %dma_start3A_27 = tpu.memref_squeeze %dma_start3A_26 : memref<1x4x8x1024xf32, #tpu.memory_space<vmem>> -> memref<4x8x1024xf32, #tpu.memory_space<vmem>>
    %dma_start3A_28 = arith.constant 0 : i32
    %dma_start3A_29 = arith.constant 0 : i32
    %dma_start3A_30 = tpu.memref_slice %arg2[%dma_start3A_28, %add3A_8, %dma_start3A_29] : memref<4x4096x1024xf32, #tpu.memory_space<hbm>> -> memref<4x8x1024xf32, #tpu.memory_space<hbm>>
    %dma_start3A_31 = arith.constant 0 : i32
    %dma_start3A_32 = arith.constant 0 : i32
    %dma_start3A_33 = arith.constant 0 : i32
    %dma_start3A_34 = tpu.memref_slice %arg7[%dma_start3A_22, %dma_start3A_31, %dma_start3A_32, %dma_start3A_33] : memref<2x4x8x1024xf32, #tpu.memory_space<vmem>> -> memref<1x4x8x1024xf32, #tpu.memory_space<vmem>>
    %dma_start3A_35 = tpu.memref_squeeze %dma_start3A_34 : memref<1x4x8x1024xf32, #tpu.memory_space<vmem>> -> memref<4x8x1024xf32, #tpu.memory_space<vmem>>
    %dma_start3A_36 = arith.constant 0 : i32
    %dma_start3A_37 = arith.constant 0 : i32
    %dma_start3A_38 = tpu.memref_slice %arg2[%dma_start3A_36, %add3A_8, %dma_start3A_37] : memref<4x4096x1024xf32, #tpu.memory_space<hbm>> -> memref<4x8x1024xf32, #tpu.memory_space<hbm>>
    tpu.enqueue_dma source(%dma_start3A_38 : memref<4x8x1024xf32, #tpu.memory_space<hbm>>) target(%dma_start3A_35 : memref<4x8x1024xf32, #tpu.memory_space<vmem>>) target_semaphore(%arg11 : memref<!tpu.dma_semaphore, #tpu.memory_space<semaphore_mem>>)
    %scan3A = arith.constant 0 : i32
    %scan3A_39 = arith.constant 0 : i32
    %scan3A_40 = arith.constant 8 : i32
    %scan3A_41 = arith.addi %scan3A_39, %scan3A_40 : i32
    %scan3A_42 = arith.constant 1 : i32
    scf.for %scan3A_63 = %scan3A_39 to %scan3A_41 step %scan3A_42  : i32 {
      %mul3A_64 = arith.constant 2 : i32
      %mul3A_65 = arith.muli %scan3A_63, %mul3A_64 : i32
      %add3A_66 = arith.constant 0 : i32
      %add3A_67 = arith.addi %mul3A_65, %add3A_66 : i32
      %ge3A = arith.constant 1 : i32
      %ge3A_68 = arith.cmpi sge, %add3A_67, %ge3A : i32
      %convert_element_type3A = arith.extui %ge3A_68 : i1 to i32
      %cond3A = arith.constant 0 : i32
      %cond3A_69 = arith.cmpi ne, %convert_element_type3A, %cond3A : i32
      scf.if %cond3A_69 {
        %sub3A = arith.constant 1 : i32
        %sub3A_210 = arith.subi %add3A_67, %sub3A : i32
        %mul3A_211 = arith.constant 8 : i32
        %mul3A_212 = arith.muli %sub3A_210, %mul3A_211 : i32
        %add3A_213 = arith.addi %mul3A_2, %mul3A_212 : i32
        %dma_wait3A_214 = arith.constant 1 : i32
        %dma_wait3A_215 = arith.constant 0 : i32
        %dma_wait3A_216 = arith.constant 0 : i32
        %dma_wait3A_217 = arith.constant 0 : i32
        %dma_wait3A_218 = tpu.memref_slice %arg7[%dma_wait3A_214, %dma_wait3A_215, %dma_wait3A_216, %dma_wait3A_217] : memref<2x4x8x1024xf32, #tpu.memory_space<vmem>> -> memref<1x4x8x1024xf32, #tpu.memory_space<vmem>>
        %dma_wait3A_219 = tpu.memref_squeeze %dma_wait3A_218 : memref<1x4x8x1024xf32, #tpu.memory_space<vmem>> -> memref<4x8x1024xf32, #tpu.memory_space<vmem>>
        %dma_wait3A_220 = arith.constant 0 : i32
        %dma_wait3A_221 = arith.constant 0 : i32
        %dma_wait3A_222 = tpu.memref_slice %arg6[%dma_wait3A_220, %add3A_213, %dma_wait3A_221] : memref<4x4096x1024xf32, #tpu.memory_space<hbm>> -> memref<4x8x1024xf32, #tpu.memory_space<hbm>>
        %dma_wait3A_223 = arith.constant 0 : i32
        %dma_wait3A_224 = arith.constant 0 : i32
        %dma_wait3A_225 = tpu.memref_slice %arg6[%dma_wait3A_223, %add3A_213, %dma_wait3A_224] : memref<4x4096x1024xf32, #tpu.memory_space<hbm>> -> memref<4x8x1024xf32, #tpu.memory_space<hbm>>
        %dma_wait3A_226 = arith.constant 0 : i32
        %dma_wait3A_227 = arith.constant 0 : i32
        %dma_wait3A_228 = arith.constant 0 : i32
        %dma_wait3A_229 = tpu.memref_slice %arg7[%dma_wait3A_214, %dma_wait3A_226, %dma_wait3A_227, %dma_wait3A_228] : memref<2x4x8x1024xf32, #tpu.memory_space<vmem>> -> memref<1x4x8x1024xf32, #tpu.memory_space<vmem>>
        %dma_wait3A_230 = tpu.memref_squeeze %dma_wait3A_229 : memref<1x4x8x1024xf32, #tpu.memory_space<vmem>> -> memref<4x8x1024xf32, #tpu.memory_space<vmem>>
        tpu.wait_dma2 semaphore(%arg14 : memref<!tpu.dma_semaphore, #tpu.memory_space<semaphore_mem>>) src(%dma_wait3A_230 : memref<4x8x1024xf32, #tpu.memory_space<vmem>>) dst(%dma_wait3A_225 : memref<4x8x1024xf32, #tpu.memory_space<hbm>>)
      } else {
      }
      %add3A_70 = arith.constant 1 : i32
      %add3A_71 = arith.addi %add3A_67, %add3A_70 : i32
      %lt3A = arith.constant 16 : i32
      %lt3A_72 = arith.cmpi slt, %add3A_71, %lt3A : i32
      %convert_element_type3A_73 = arith.extui %lt3A_72 : i1 to i32
      %cond3A_74 = arith.constant 0 : i32
      %cond3A_75 = arith.cmpi ne, %convert_element_type3A_73, %cond3A_74 : i32
      scf.if %cond3A_75 {
        %add3A_210 = arith.constant 1 : i32
        %add3A_211 = arith.addi %add3A_67, %add3A_210 : i32
        %mul3A_212 = arith.constant 8 : i32
        %mul3A_213 = arith.muli %add3A_211, %mul3A_212 : i32
        %add3A_214 = arith.addi %mul3A_2, %mul3A_213 : i32
        %dma_start3A_215 = arith.constant 1 : i32
        %dma_start3A_216 = arith.constant 0 : i32
        %dma_start3A_217 = arith.constant 0 : i32
        %dma_start3A_218 = tpu.memref_slice %arg8[%dma_start3A_215, %dma_start3A_216, %dma_start3A_217] : memref<2x8x1024xf32, #tpu.memory_space<vmem>> -> memref<1x8x1024xf32, #tpu.memory_space<vmem>>
        %dma_start3A_219 = tpu.memref_squeeze %dma_start3A_218 : memref<1x8x1024xf32, #tpu.memory_space<vmem>> -> memref<8x1024xf32, #tpu.memory_space<vmem>>
        %dma_start3A_220 = arith.constant 0 : i32
        %dma_start3A_221 = tpu.memref_slice %arg4[%add3A_214, %dma_start3A_220] : memref<8192x1024xf32, #tpu.memory_space<hbm>> -> memref<8x1024xf32, #tpu.memory_space<hbm>>
        %dma_start3A_222 = arith.constant 0 : i32
        %dma_start3A_223 = arith.constant 0 : i32
        %dma_start3A_224 = tpu.memref_slice %arg8[%dma_start3A_215, %dma_start3A_222, %dma_start3A_223] : memref<2x8x1024xf32, #tpu.memory_space<vmem>> -> memref<1x8x1024xf32, #tpu.memory_space<vmem>>
        %dma_start3A_225 = tpu.memref_squeeze %dma_start3A_224 : memref<1x8x1024xf32, #tpu.memory_space<vmem>> -> memref<8x1024xf32, #tpu.memory_space<vmem>>
        %dma_start3A_226 = arith.constant 0 : i32
        %dma_start3A_227 = tpu.memref_slice %arg4[%add3A_214, %dma_start3A_226] : memref<8192x1024xf32, #tpu.memory_space<hbm>> -> memref<8x1024xf32, #tpu.memory_space<hbm>>
        tpu.enqueue_dma source(%dma_start3A_227 : memref<8x1024xf32, #tpu.memory_space<hbm>>) target(%dma_start3A_225 : memref<8x1024xf32, #tpu.memory_space<vmem>>) target_semaphore(%arg12 : memref<!tpu.dma_semaphore, #tpu.memory_space<semaphore_mem>>)
        %dma_start3A_228 = arith.constant 1 : i32
        %dma_start3A_229 = arith.constant 0 : i32
        %dma_start3A_230 = arith.constant 0 : i32
        %dma_start3A_231 = arith.constant 0 : i32
        %dma_start3A_232 = tpu.memref_slice %arg7[%dma_start3A_228, %dma_start3A_229, %dma_start3A_230, %dma_start3A_231] : memref<2x4x8x1024xf32, #tpu.memory_space<vmem>> -> memref<1x4x8x1024xf32, #tpu.memory_space<vmem>>
        %dma_start3A_233 = tpu.memref_squeeze %dma_start3A_232 : memref<1x4x8x1024xf32, #tpu.memory_space<vmem>> -> memref<4x8x1024xf32, #tpu.memory_space<vmem>>
        %dma_start3A_234 = arith.constant 0 : i32
        %dma_start3A_235 = arith.constant 0 : i32
        %dma_start3A_236 = tpu.memref_slice %arg2[%dma_start3A_234, %add3A_214, %dma_start3A_235] : memref<4x4096x1024xf32, #tpu.memory_space<hbm>> -> memref<4x8x1024xf32, #tpu.memory_space<hbm>>
        %dma_start3A_237 = arith.constant 0 : i32
        %dma_start3A_238 = arith.constant 0 : i32
        %dma_start3A_239 = arith.constant 0 : i32
        %dma_start3A_240 = tpu.memref_slice %arg7[%dma_start3A_228, %dma_start3A_237, %dma_start3A_238, %dma_start3A_239] : memref<2x4x8x1024xf32, #tpu.memory_space<vmem>> -> memref<1x4x8x1024xf32, #tpu.memory_space<vmem>>
        %dma_start3A_241 = tpu.memref_squeeze %dma_start3A_240 : memref<1x4x8x1024xf32, #tpu.memory_space<vmem>> -> memref<4x8x1024xf32, #tpu.memory_space<vmem>>
        %dma_start3A_242 = arith.constant 0 : i32
        %dma_start3A_243 = arith.constant 0 : i32
        %dma_start3A_244 = tpu.memref_slice %arg2[%dma_start3A_242, %add3A_214, %dma_start3A_243] : memref<4x4096x1024xf32, #tpu.memory_space<hbm>> -> memref<4x8x1024xf32, #tpu.memory_space<hbm>>
        tpu.enqueue_dma source(%dma_start3A_244 : memref<4x8x1024xf32, #tpu.memory_space<hbm>>) target(%dma_start3A_241 : memref<4x8x1024xf32, #tpu.memory_space<vmem>>) target_semaphore(%arg12 : memref<!tpu.dma_semaphore, #tpu.memory_space<semaphore_mem>>)
      } else {
      }
      %mul3A_76 = arith.constant 8 : i32
      %mul3A_77 = arith.muli %add3A_67, %mul3A_76 : i32
      %add3A_78 = arith.addi %mul3A_2, %mul3A_77 : i32
      %dma_wait3A_79 = arith.constant 0 : i32
      %dma_wait3A_80 = arith.constant 0 : i32
      %dma_wait3A_81 = arith.constant 0 : i32
      %dma_wait3A_82 = tpu.memref_slice %arg8[%dma_wait3A_79, %dma_wait3A_80, %dma_wait3A_81] : memref<2x8x1024xf32, #tpu.memory_space<vmem>> -> memref<1x8x1024xf32, #tpu.memory_space<vmem>>
      %dma_wait3A_83 = tpu.memref_squeeze %dma_wait3A_82 : memref<1x8x1024xf32, #tpu.memory_space<vmem>> -> memref<8x1024xf32, #tpu.memory_space<vmem>>
      %dma_wait3A_84 = arith.constant 0 : i32
      %dma_wait3A_85 = tpu.memref_slice %arg4[%add3A_78, %dma_wait3A_84] : memref<8192x1024xf32, #tpu.memory_space<hbm>> -> memref<8x1024xf32, #tpu.memory_space<hbm>>
      %dma_wait3A_86 = arith.constant 0 : i32
      %dma_wait3A_87 = arith.constant 0 : i32
      %dma_wait3A_88 = tpu.memref_slice %arg8[%dma_wait3A_79, %dma_wait3A_86, %dma_wait3A_87] : memref<2x8x1024xf32, #tpu.memory_space<vmem>> -> memref<1x8x1024xf32, #tpu.memory_space<vmem>>
      %dma_wait3A_89 = tpu.memref_squeeze %dma_wait3A_88 : memref<1x8x1024xf32, #tpu.memory_space<vmem>> -> memref<8x1024xf32, #tpu.memory_space<vmem>>
      %dma_wait3A_90 = arith.constant 0 : i32
      %dma_wait3A_91 = tpu.memref_slice %arg4[%add3A_78, %dma_wait3A_90] : memref<8192x1024xf32, #tpu.memory_space<hbm>> -> memref<8x1024xf32, #tpu.memory_space<hbm>>
      tpu.wait_dma2 semaphore(%arg11 : memref<!tpu.dma_semaphore, #tpu.memory_space<semaphore_mem>>) src(%dma_wait3A_91 : memref<8x1024xf32, #tpu.memory_space<hbm>>) dst(%dma_wait3A_89 : memref<8x1024xf32, #tpu.memory_space<vmem>>)
      %dma_wait3A_92 = arith.constant 0 : i32
      %dma_wait3A_93 = arith.constant 0 : i32
      %dma_wait3A_94 = arith.constant 0 : i32
      %dma_wait3A_95 = arith.constant 0 : i32
      %dma_wait3A_96 = tpu.memref_slice %arg7[%dma_wait3A_92, %dma_wait3A_93, %dma_wait3A_94, %dma_wait3A_95] : memref<2x4x8x1024xf32, #tpu.memory_space<vmem>> -> memref<1x4x8x1024xf32, #tpu.memory_space<vmem>>
      %dma_wait3A_97 = tpu.memref_squeeze %dma_wait3A_96 : memref<1x4x8x1024xf32, #tpu.memory_space<vmem>> -> memref<4x8x1024xf32, #tpu.memory_space<vmem>>
      %dma_wait3A_98 = arith.constant 0 : i32
      %dma_wait3A_99 = arith.constant 0 : i32
      %dma_wait3A_100 = tpu.memref_slice %arg2[%dma_wait3A_98, %add3A_78, %dma_wait3A_99] : memref<4x4096x1024xf32, #tpu.memory_space<hbm>> -> memref<4x8x1024xf32, #tpu.memory_space<hbm>>
      %dma_wait3A_101 = arith.constant 0 : i32
      %dma_wait3A_102 = arith.constant 0 : i32
      %dma_wait3A_103 = arith.constant 0 : i32
      %dma_wait3A_104 = tpu.memref_slice %arg7[%dma_wait3A_92, %dma_wait3A_101, %dma_wait3A_102, %dma_wait3A_103] : memref<2x4x8x1024xf32, #tpu.memory_space<vmem>> -> memref<1x4x8x1024xf32, #tpu.memory_space<vmem>>
      %dma_wait3A_105 = tpu.memref_squeeze %dma_wait3A_104 : memref<1x4x8x1024xf32, #tpu.memory_space<vmem>> -> memref<4x8x1024xf32, #tpu.memory_space<vmem>>
      %dma_wait3A_106 = arith.constant 0 : i32
      %dma_wait3A_107 = arith.constant 0 : i32
      %dma_wait3A_108 = tpu.memref_slice %arg2[%dma_wait3A_106, %add3A_78, %dma_wait3A_107] : memref<4x4096x1024xf32, #tpu.memory_space<hbm>> -> memref<4x8x1024xf32, #tpu.memory_space<hbm>>
      tpu.wait_dma2 semaphore(%arg11 : memref<!tpu.dma_semaphore, #tpu.memory_space<semaphore_mem>>) src(%dma_wait3A_108 : memref<4x8x1024xf32, #tpu.memory_space<hbm>>) dst(%dma_wait3A_105 : memref<4x8x1024xf32, #tpu.memory_space<vmem>>)
      %scan3A_109 = arith.constant 0 : i32
      %scan3A_110 = arith.constant 0 : i32
      %scan3A_111 = arith.constant 64 : i32
      %scan3A_112 = arith.addi %scan3A_110, %scan3A_111 : i32
      %scan3A_113 = arith.constant 1 : i32
      scf.for %scan3A_210 = %scan3A_110 to %scan3A_112 step %scan3A_113  : i32 {
        %mul3A_211 = arith.constant 16 : i32
        %mul3A_212 = arith.muli %scan3A_210, %mul3A_211 : i32
        %multiple_of3A = tpu.assume_multiple %mul3A_212, 16 : i32
        %get3A = arith.constant 0 : i32
        %get3A_213 = arith.index_cast %get3A : i32 to index
        %get3A_214 = arith.index_cast %multiple_of3A : i32 to index
        %get3A_215 = tpu.vector_load %arg9[%get3A_213, %get3A_214] {strides = array<i32>} : memref<1x1024xf32, #tpu.memory_space<vmem>>, vector<1x16xf32>,
        %get3A_216 = vector.shape_cast %get3A_215 : vector<1x16xf32> to vector<16xf32>
        %get3A_217 = arith.constant 0 : i32
        %get3A_218 = arith.constant 0 : i32
        %get3A_219 = arith.index_cast %get3A_217 : i32 to index
        %get3A_220 = arith.index_cast %get3A_218 : i32 to index
        %get3A_221 = arith.index_cast %multiple_of3A : i32 to index
        %get3A_222 = tpu.vector_load %arg8[%get3A_219, %get3A_220, %get3A_221] {strides = array<i32>} : memref<2x8x1024xf32, #tpu.memory_space<vmem>>, vector<1x1x16xf32>,
        %get3A_223 = vector.shape_cast %get3A_222 : vector<1x1x16xf32> to vector<16xf32>
        %add3A_224 = arith.addf %get3A_223, %get3A_216 : vector<16xf32>
        %get3A_225 = arith.constant 0 : i32
        %get3A_226 = arith.constant 1 : i32
        %get3A_227 = arith.index_cast %get3A_225 : i32 to index
        %get3A_228 = arith.index_cast %get3A_226 : i32 to index
        %get3A_229 = arith.index_cast %multiple_of3A : i32 to index
        %get3A_230 = tpu.vector_load %arg8[%get3A_227, %get3A_228, %get3A_229] {strides = array<i32>} : memref<2x8x1024xf32, #tpu.memory_space<vmem>>, vector<1x1x16xf32>,
        %get3A_231 = vector.shape_cast %get3A_230 : vector<1x1x16xf32> to vector<16xf32>
        %add3A_232 = arith.addf %get3A_231, %get3A_216 : vector<16xf32>
        %get3A_233 = arith.constant 0 : i32
        %get3A_234 = arith.constant 2 : i32
        %get3A_235 = arith.index_cast %get3A_233 : i32 to index
        %get3A_236 = arith.index_cast %get3A_234 : i32 to index
        %get3A_237 = arith.index_cast %multiple_of3A : i32 to index
        %get3A_238 = tpu.vector_load %arg8[%get3A_235, %get3A_236, %get3A_237] {strides = array<i32>} : memref<2x8x1024xf32, #tpu.memory_space<vmem>>, vector<1x1x16xf32>,
        %get3A_239 = vector.shape_cast %get3A_238 : vector<1x1x16xf32> to vector<16xf32>
        %add3A_240 = arith.addf %get3A_239, %get3A_216 : vector<16xf32>
        %get3A_241 = arith.constant 0 : i32
        %get3A_242 = arith.constant 3 : i32
        %get3A_243 = arith.index_cast %get3A_241 : i32 to index
        %get3A_244 = arith.index_cast %get3A_242 : i32 to index
        %get3A_245 = arith.index_cast %multiple_of3A : i32 to index
        %get3A_246 = tpu.vector_load %arg8[%get3A_243, %get3A_244, %get3A_245] {strides = array<i32>} : memref<2x8x1024xf32, #tpu.memory_space<vmem>>, vector<1x1x16xf32>,
        %get3A_247 = vector.shape_cast %get3A_246 : vector<1x1x16xf32> to vector<16xf32>
        %add3A_248 = arith.addf %get3A_247, %get3A_216 : vector<16xf32>
        %get3A_249 = arith.constant 0 : i32
        %get3A_250 = arith.constant 4 : i32
        %get3A_251 = arith.index_cast %get3A_249 : i32 to index
        %get3A_252 = arith.index_cast %get3A_250 : i32 to index
        %get3A_253 = arith.index_cast %multiple_of3A : i32 to index
        %get3A_254 = tpu.vector_load %arg8[%get3A_251, %get3A_252, %get3A_253] {strides = array<i32>} : memref<2x8x1024xf32, #tpu.memory_space<vmem>>, vector<1x1x16xf32>,
        %get3A_255 = vector.shape_cast %get3A_254 : vector<1x1x16xf32> to vector<16xf32>
        %add3A_256 = arith.addf %get3A_255, %get3A_216 : vector<16xf32>
        %get3A_257 = arith.constant 0 : i32
        %get3A_258 = arith.constant 5 : i32
        %get3A_259 = arith.index_cast %get3A_257 : i32 to index
        %get3A_260 = arith.index_cast %get3A_258 : i32 to index
        %get3A_261 = arith.index_cast %multiple_of3A : i32 to index
        %get3A_262 = tpu.vector_load %arg8[%get3A_259, %get3A_260, %get3A_261] {strides = array<i32>} : memref<2x8x1024xf32, #tpu.memory_space<vmem>>, vector<1x1x16xf32>,
        %get3A_263 = vector.shape_cast %get3A_262 : vector<1x1x16xf32> to vector<16xf32>
        %add3A_264 = arith.addf %get3A_263, %get3A_216 : vector<16xf32>
        %get3A_265 = arith.constant 0 : i32
        %get3A_266 = arith.constant 6 : i32
        %get3A_267 = arith.index_cast %get3A_265 : i32 to index
        %get3A_268 = arith.index_cast %get3A_266 : i32 to index
        %get3A_269 = arith.index_cast %multiple_of3A : i32 to index
        %get3A_270 = tpu.vector_load %arg8[%get3A_267, %get3A_268, %get3A_269] {strides = array<i32>} : memref<2x8x1024xf32, #tpu.memory_space<vmem>>, vector<1x1x16xf32>,
        %get3A_271 = vector.shape_cast %get3A_270 : vector<1x1x16xf32> to vector<16xf32>
        %add3A_272 = arith.addf %get3A_271, %get3A_216 : vector<16xf32>
        %get3A_273 = arith.constant 0 : i32
        %get3A_274 = arith.constant 7 : i32
        %get3A_275 = arith.index_cast %get3A_273 : i32 to index
        %get3A_276 = arith.index_cast %get3A_274 : i32 to index
        %get3A_277 = arith.index_cast %multiple_of3A : i32 to index
        %get3A_278 = tpu.vector_load %arg8[%get3A_275, %get3A_276, %get3A_277] {strides = array<i32>} : memref<2x8x1024xf32, #tpu.memory_space<vmem>>, vector<1x1x16xf32>,
        %get3A_279 = vector.shape_cast %get3A_278 : vector<1x1x16xf32> to vector<16xf32>
        %add3A_280 = arith.addf %get3A_279, %get3A_216 : vector<16xf32>
        %swap3A = arith.constant 0 : i32
        %swap3A_281 = arith.constant 0 : i32
        %swap3A_282 = arith.constant 0 : i32
        %swap3A_283 = arith.index_cast %swap3A : i32 to index
        %swap3A_284 = arith.index_cast %swap3A_281 : i32 to index
        %swap3A_285 = arith.index_cast %swap3A_282 : i32 to index
        %swap3A_286 = arith.index_cast %multiple_of3A : i32 to index
        %swap3A_287 = tpu.vector_load %arg7[%swap3A_283, %swap3A_284, %swap3A_285, %swap3A_286] {strides = array<i32>} : memref<2x4x8x1024xf32, #tpu.memory_space<vmem>>, vector<1x1x1x16xf32>,
        %swap3A_288 = vector.shape_cast %swap3A_287 : vector<1x1x1x16xf32> to vector<16xf32>
        %swap3A_289 = vector.shape_cast %add3A_224 : vector<16xf32> to vector<1x1x1x16xf32>
        tpu.vector_store %arg7[%swap3A_283, %swap3A_284, %swap3A_285, %swap3A_286], %swap3A_289 {add = true, strides = array<i32>} : memref<2x4x8x1024xf32, #tpu.memory_space<vmem>>, vector<1x1x1x16xf32>,
        %swap3A_290 = arith.constant 0 : i32
        %swap3A_291 = arith.constant 1 : i32
        %swap3A_292 = arith.constant 0 : i32
        %swap3A_293 = arith.index_cast %swap3A_290 : i32 to index
        %swap3A_294 = arith.index_cast %swap3A_291 : i32 to index
        %swap3A_295 = arith.index_cast %swap3A_292 : i32 to index
        %swap3A_296 = arith.index_cast %multiple_of3A : i32 to index
        %swap3A_297 = tpu.vector_load %arg7[%swap3A_293, %swap3A_294, %swap3A_295, %swap3A_296] {strides = array<i32>} : memref<2x4x8x1024xf32, #tpu.memory_space<vmem>>, vector<1x1x1x16xf32>,
        %swap3A_298 = vector.shape_cast %swap3A_297 : vector<1x1x1x16xf32> to vector<16xf32>
        %swap3A_299 = vector.shape_cast %add3A_224 : vector<16xf32> to vector<1x1x1x16xf32>
        tpu.vector_store %arg7[%swap3A_293, %swap3A_294, %swap3A_295, %swap3A_296], %swap3A_299 {add = true, strides = array<i32>} : memref<2x4x8x1024xf32, #tpu.memory_space<vmem>>, vector<1x1x1x16xf32>,
        %swap3A_300 = arith.constant 0 : i32
        %swap3A_301 = arith.constant 2 : i32
        %swap3A_302 = arith.constant 0 : i32
        %swap3A_303 = arith.index_cast %swap3A_300 : i32 to index
        %swap3A_304 = arith.index_cast %swap3A_301 : i32 to index
        %swap3A_305 = arith.index_cast %swap3A_302 : i32 to index
        %swap3A_306 = arith.index_cast %multiple_of3A : i32 to index
        %swap3A_307 = tpu.vector_load %arg7[%swap3A_303, %swap3A_304, %swap3A_305, %swap3A_306] {strides = array<i32>} : memref<2x4x8x1024xf32, #tpu.memory_space<vmem>>, vector<1x1x1x16xf32>,
        %swap3A_308 = vector.shape_cast %swap3A_307 : vector<1x1x1x16xf32> to vector<16xf32>
        %swap3A_309 = vector.shape_cast %add3A_224 : vector<16xf32> to vector<1x1x1x16xf32>
        tpu.vector_store %arg7[%swap3A_303, %swap3A_304, %swap3A_305, %swap3A_306], %swap3A_309 {add = true, strides = array<i32>} : memref<2x4x8x1024xf32, #tpu.memory_space<vmem>>, vector<1x1x1x16xf32>,
        %swap3A_310 = arith.constant 0 : i32
        %swap3A_311 = arith.constant 3 : i32
        %swap3A_312 = arith.constant 0 : i32
        %swap3A_313 = arith.index_cast %swap3A_310 : i32 to index
        %swap3A_314 = arith.index_cast %swap3A_311 : i32 to index
        %swap3A_315 = arith.index_cast %swap3A_312 : i32 to index
        %swap3A_316 = arith.index_cast %multiple_of3A : i32 to index
        %swap3A_317 = tpu.vector_load %arg7[%swap3A_313, %swap3A_314, %swap3A_315, %swap3A_316] {strides = array<i32>} : memref<2x4x8x1024xf32, #tpu.memory_space<vmem>>, vector<1x1x1x16xf32>,
        %swap3A_318 = vector.shape_cast %swap3A_317 : vector<1x1x1x16xf32> to vector<16xf32>
        %swap3A_319 = vector.shape_cast %add3A_224 : vector<16xf32> to vector<1x1x1x16xf32>
        tpu.vector_store %arg7[%swap3A_313, %swap3A_314, %swap3A_315, %swap3A_316], %swap3A_319 {add = true, strides = array<i32>} : memref<2x4x8x1024xf32, #tpu.memory_space<vmem>>, vector<1x1x1x16xf32>,
        %swap3A_320 = arith.constant 0 : i32
        %swap3A_321 = arith.constant 0 : i32
        %swap3A_322 = arith.constant 1 : i32
        %swap3A_323 = arith.index_cast %swap3A_320 : i32 to index
        %swap3A_324 = arith.index_cast %swap3A_321 : i32 to index
        %swap3A_325 = arith.index_cast %swap3A_322 : i32 to index
        %swap3A_326 = arith.index_cast %multiple_of3A : i32 to index
        %swap3A_327 = tpu.vector_load %arg7[%swap3A_323, %swap3A_324, %swap3A_325, %swap3A_326] {strides = array<i32>} : memref<2x4x8x1024xf32, #tpu.memory_space<vmem>>, vector<1x1x1x16xf32>,
        %swap3A_328 = vector.shape_cast %swap3A_327 : vector<1x1x1x16xf32> to vector<16xf32>
        %swap3A_329 = vector.shape_cast %add3A_232 : vector<16xf32> to vector<1x1x1x16xf32>
        tpu.vector_store %arg7[%swap3A_323, %swap3A_324, %swap3A_325, %swap3A_326], %swap3A_329 {add = true, strides = array<i32>} : memref<2x4x8x1024xf32, #tpu.memory_space<vmem>>, vector<1x1x1x16xf32>,
        %swap3A_330 = arith.constant 0 : i32
        %swap3A_331 = arith.constant 1 : i32
        %swap3A_332 = arith.constant 1 : i32
        %swap3A_333 = arith.index_cast %swap3A_330 : i32 to index
        %swap3A_334 = arith.index_cast %swap3A_331 : i32 to index
        %swap3A_335 = arith.index_cast %swap3A_332 : i32 to index
        %swap3A_336 = arith.index_cast %multiple_of3A : i32 to index
        %swap3A_337 = tpu.vector_load %arg7[%swap3A_333, %swap3A_334, %swap3A_335, %swap3A_336] {strides = array<i32>} : memref<2x4x8x1024xf32, #tpu.memory_space<vmem>>, vector<1x1x1x16xf32>,
        %swap3A_338 = vector.shape_cast %swap3A_337 : vector<1x1x1x16xf32> to vector<16xf32>
        %swap3A_339 = vector.shape_cast %add3A_232 : vector<16xf32> to vector<1x1x1x16xf32>
        tpu.vector_store %arg7[%swap3A_333, %swap3A_334, %swap3A_335, %swap3A_336], %swap3A_339 {add = true, strides = array<i32>} : memref<2x4x8x1024xf32, #tpu.memory_space<vmem>>, vector<1x1x1x16xf32>,
        %swap3A_340 = arith.constant 0 : i32
        %swap3A_341 = arith.constant 2 : i32
        %swap3A_342 = arith.constant 1 : i32
        %swap3A_343 = arith.index_cast %swap3A_340 : i32 to index
        %swap3A_344 = arith.index_cast %swap3A_341 : i32 to index
        %swap3A_345 = arith.index_cast %swap3A_342 : i32 to index
        %swap3A_346 = arith.index_cast %multiple_of3A : i32 to index
        %swap3A_347 = tpu.vector_load %arg7[%swap3A_343, %swap3A_344, %swap3A_345, %swap3A_346] {strides = array<i32>} : memref<2x4x8x1024xf32, #tpu.memory_space<vmem>>, vector<1x1x1x16xf32>,
        %swap3A_348 = vector.shape_cast %swap3A_347 : vector<1x1x1x16xf32> to vector<16xf32>
        %swap3A_349 = vector.shape_cast %add3A_232 : vector<16xf32> to vector<1x1x1x16xf32>
        tpu.vector_store %arg7[%swap3A_343, %swap3A_344, %swap3A_345, %swap3A_346], %swap3A_349 {add = true, strides = array<i32>} : memref<2x4x8x1024xf32, #tpu.memory_space<vmem>>, vector<1x1x1x16xf32>,
        %swap3A_350 = arith.constant 0 : i32
        %swap3A_351 = arith.constant 3 : i32
        %swap3A_352 = arith.constant 1 : i32
        %swap3A_353 = arith.index_cast %swap3A_350 : i32 to index
        %swap3A_354 = arith.index_cast %swap3A_351 : i32 to index
        %swap3A_355 = arith.index_cast %swap3A_352 : i32 to index
        %swap3A_356 = arith.index_cast %multiple_of3A : i32 to index
        %swap3A_357 = tpu.vector_load %arg7[%swap3A_353, %swap3A_354, %swap3A_355, %swap3A_356] {strides = array<i32>} : memref<2x4x8x1024xf32, #tpu.memory_space<vmem>>, vector<1x1x1x16xf32>,
        %swap3A_358 = vector.shape_cast %swap3A_357 : vector<1x1x1x16xf32> to vector<16xf32>
        %swap3A_359 = vector.shape_cast %add3A_232 : vector<16xf32> to vector<1x1x1x16xf32>
        tpu.vector_store %arg7[%swap3A_353, %swap3A_354, %swap3A_355, %swap3A_356], %swap3A_359 {add = true, strides = array<i32>} : memref<2x4x8x1024xf32, #tpu.memory_space<vmem>>, vector<1x1x1x16xf32>,
        %swap3A_360 = arith.constant 0 : i32
        %swap3A_361 = arith.constant 0 : i32
        %swap3A_362 = arith.constant 2 : i32
        %swap3A_363 = arith.index_cast %swap3A_360 : i32 to index
        %swap3A_364 = arith.index_cast %swap3A_361 : i32 to index
        %swap3A_365 = arith.index_cast %swap3A_362 : i32 to index
        %swap3A_366 = arith.index_cast %multiple_of3A : i32 to index
        %swap3A_367 = tpu.vector_load %arg7[%swap3A_363, %swap3A_364, %swap3A_365, %swap3A_366] {strides = array<i32>} : memref<2x4x8x1024xf32, #tpu.memory_space<vmem>>, vector<1x1x1x16xf32>,
        %swap3A_368 = vector.shape_cast %swap3A_367 : vector<1x1x1x16xf32> to vector<16xf32>
        %swap3A_369 = vector.shape_cast %add3A_240 : vector<16xf32> to vector<1x1x1x16xf32>
        tpu.vector_store %arg7[%swap3A_363, %swap3A_364, %swap3A_365, %swap3A_366], %swap3A_369 {add = true, strides = array<i32>} : memref<2x4x8x1024xf32, #tpu.memory_space<vmem>>, vector<1x1x1x16xf32>,
        %swap3A_370 = arith.constant 0 : i32
        %swap3A_371 = arith.constant 1 : i32
        %swap3A_372 = arith.constant 2 : i32
        %swap3A_373 = arith.index_cast %swap3A_370 : i32 to index
        %swap3A_374 = arith.index_cast %swap3A_371 : i32 to index
        %swap3A_375 = arith.index_cast %swap3A_372 : i32 to index
        %swap3A_376 = arith.index_cast %multiple_of3A : i32 to index
        %swap3A_377 = tpu.vector_load %arg7[%swap3A_373, %swap3A_374, %swap3A_375, %swap3A_376] {strides = array<i32>} : memref<2x4x8x1024xf32, #tpu.memory_space<vmem>>, vector<1x1x1x16xf32>,
        %swap3A_378 = vector.shape_cast %swap3A_377 : vector<1x1x1x16xf32> to vector<16xf32>
        %swap3A_379 = vector.shape_cast %add3A_240 : vector<16xf32> to vector<1x1x1x16xf32>
        tpu.vector_store %arg7[%swap3A_373, %swap3A_374, %swap3A_375, %swap3A_376], %swap3A_379 {add = true, strides = array<i32>} : memref<2x4x8x1024xf32, #tpu.memory_space<vmem>>, vector<1x1x1x16xf32>,
        %swap3A_380 = arith.constant 0 : i32
        %swap3A_381 = arith.constant 2 : i32
        %swap3A_382 = arith.constant 2 : i32
        %swap3A_383 = arith.index_cast %swap3A_380 : i32 to index
        %swap3A_384 = arith.index_cast %swap3A_381 : i32 to index
        %swap3A_385 = arith.index_cast %swap3A_382 : i32 to index
        %swap3A_386 = arith.index_cast %multiple_of3A : i32 to index
        %swap3A_387 = tpu.vector_load %arg7[%swap3A_383, %swap3A_384, %swap3A_385, %swap3A_386] {strides = array<i32>} : memref<2x4x8x1024xf32, #tpu.memory_space<vmem>>, vector<1x1x1x16xf32>,
        %swap3A_388 = vector.shape_cast %swap3A_387 : vector<1x1x1x16xf32> to vector<16xf32>
        %swap3A_389 = vector.shape_cast %add3A_240 : vector<16xf32> to vector<1x1x1x16xf32>
        tpu.vector_store %arg7[%swap3A_383, %swap3A_384, %swap3A_385, %swap3A_386], %swap3A_389 {add = true, strides = array<i32>} : memref<2x4x8x1024xf32, #tpu.memory_space<vmem>>, vector<1x1x1x16xf32>,
        %swap3A_390 = arith.constant 0 : i32
        %swap3A_391 = arith.constant 3 : i32
        %swap3A_392 = arith.constant 2 : i32
        %swap3A_393 = arith.index_cast %swap3A_390 : i32 to index
        %swap3A_394 = arith.index_cast %swap3A_391 : i32 to index
        %swap3A_395 = arith.index_cast %swap3A_392 : i32 to index
        %swap3A_396 = arith.index_cast %multiple_of3A : i32 to index
        %swap3A_397 = tpu.vector_load %arg7[%swap3A_393, %swap3A_394, %swap3A_395, %swap3A_396] {strides = array<i32>} : memref<2x4x8x1024xf32, #tpu.memory_space<vmem>>, vector<1x1x1x16xf32>,
        %swap3A_398 = vector.shape_cast %swap3A_397 : vector<1x1x1x16xf32> to vector<16xf32>
        %swap3A_399 = vector.shape_cast %add3A_240 : vector<16xf32> to vector<1x1x1x16xf32>
        tpu.vector_store %arg7[%swap3A_393, %swap3A_394, %swap3A_395, %swap3A_396], %swap3A_399 {add = true, strides = array<i32>} : memref<2x4x8x1024xf32, #tpu.memory_space<vmem>>, vector<1x1x1x16xf32>,
        %swap3A_400 = arith.constant 0 : i32
        %swap3A_401 = arith.constant 0 : i32
        %swap3A_402 = arith.constant 3 : i32
        %swap3A_403 = arith.index_cast %swap3A_400 : i32 to index
        %swap3A_404 = arith.index_cast %swap3A_401 : i32 to index
        %swap3A_405 = arith.index_cast %swap3A_402 : i32 to index
        %swap3A_406 = arith.index_cast %multiple_of3A : i32 to index
        %swap3A_407 = tpu.vector_load %arg7[%swap3A_403, %swap3A_404, %swap3A_405, %swap3A_406] {strides = array<i32>} : memref<2x4x8x1024xf32, #tpu.memory_space<vmem>>, vector<1x1x1x16xf32>,
        %swap3A_408 = vector.shape_cast %swap3A_407 : vector<1x1x1x16xf32> to vector<16xf32>
        %swap3A_409 = vector.shape_cast %add3A_248 : vector<16xf32> to vector<1x1x1x16xf32>
        tpu.vector_store %arg7[%swap3A_403, %swap3A_404, %swap3A_405, %swap3A_406], %swap3A_409 {add = true, strides = array<i32>} : memref<2x4x8x1024xf32, #tpu.memory_space<vmem>>, vector<1x1x1x16xf32>,
        %swap3A_410 = arith.constant 0 : i32
        %swap3A_411 = arith.constant 1 : i32
        %swap3A_412 = arith.constant 3 : i32
        %swap3A_413 = arith.index_cast %swap3A_410 : i32 to index
        %swap3A_414 = arith.index_cast %swap3A_411 : i32 to index
        %swap3A_415 = arith.index_cast %swap3A_412 : i32 to index
        %swap3A_416 = arith.index_cast %multiple_of3A : i32 to index
        %swap3A_417 = tpu.vector_load %arg7[%swap3A_413, %swap3A_414, %swap3A_415, %swap3A_416] {strides = array<i32>} : memref<2x4x8x1024xf32, #tpu.memory_space<vmem>>, vector<1x1x1x16xf32>,
        %swap3A_418 = vector.shape_cast %swap3A_417 : vector<1x1x1x16xf32> to vector<16xf32>
        %swap3A_419 = vector.shape_cast %add3A_248 : vector<16xf32> to vector<1x1x1x16xf32>
        tpu.vector_store %arg7[%swap3A_413, %swap3A_414, %swap3A_415, %swap3A_416], %swap3A_419 {add = true, strides = array<i32>} : memref<2x4x8x1024xf32, #tpu.memory_space<vmem>>, vector<1x1x1x16xf32>,
        %swap3A_420 = arith.constant 0 : i32
        %swap3A_421 = arith.constant 2 : i32
        %swap3A_422 = arith.constant 3 : i32
        %swap3A_423 = arith.index_cast %swap3A_420 : i32 to index
        %swap3A_424 = arith.index_cast %swap3A_421 : i32 to index
        %swap3A_425 = arith.index_cast %swap3A_422 : i32 to index
        %swap3A_426 = arith.index_cast %multiple_of3A : i32 to index
        %swap3A_427 = tpu.vector_load %arg7[%swap3A_423, %swap3A_424, %swap3A_425, %swap3A_426] {strides = array<i32>} : memref<2x4x8x1024xf32, #tpu.memory_space<vmem>>, vector<1x1x1x16xf32>,
        %swap3A_428 = vector.shape_cast %swap3A_427 : vector<1x1x1x16xf32> to vector<16xf32>
        %swap3A_429 = vector.shape_cast %add3A_248 : vector<16xf32> to vector<1x1x1x16xf32>
        tpu.vector_store %arg7[%swap3A_423, %swap3A_424, %swap3A_425, %swap3A_426], %swap3A_429 {add = true, strides = array<i32>} : memref<2x4x8x1024xf32, #tpu.memory_space<vmem>>, vector<1x1x1x16xf32>,
        %swap3A_430 = arith.constant 0 : i32
        %swap3A_431 = arith.constant 3 : i32
        %swap3A_432 = arith.constant 3 : i32
        %swap3A_433 = arith.index_cast %swap3A_430 : i32 to index
        %swap3A_434 = arith.index_cast %swap3A_431 : i32 to index
        %swap3A_435 = arith.index_cast %swap3A_432 : i32 to index
        %swap3A_436 = arith.index_cast %multiple_of3A : i32 to index
        %swap3A_437 = tpu.vector_load %arg7[%swap3A_433, %swap3A_434, %swap3A_435, %swap3A_436] {strides = array<i32>} : memref<2x4x8x1024xf32, #tpu.memory_space<vmem>>, vector<1x1x1x16xf32>,
        %swap3A_438 = vector.shape_cast %swap3A_437 : vector<1x1x1x16xf32> to vector<16xf32>
        %swap3A_439 = vector.shape_cast %add3A_248 : vector<16xf32> to vector<1x1x1x16xf32>
        tpu.vector_store %arg7[%swap3A_433, %swap3A_434, %swap3A_435, %swap3A_436], %swap3A_439 {add = true, strides = array<i32>} : memref<2x4x8x1024xf32, #tpu.memory_space<vmem>>, vector<1x1x1x16xf32>,
        %swap3A_440 = arith.constant 0 : i32
        %swap3A_441 = arith.constant 0 : i32
        %swap3A_442 = arith.constant 4 : i32
        %swap3A_443 = arith.index_cast %swap3A_440 : i32 to index
        %swap3A_444 = arith.index_cast %swap3A_441 : i32 to index
        %swap3A_445 = arith.index_cast %swap3A_442 : i32 to index
        %swap3A_446 = arith.index_cast %multiple_of3A : i32 to index
        %swap3A_447 = tpu.vector_load %arg7[%swap3A_443, %swap3A_444, %swap3A_445, %swap3A_446] {strides = array<i32>} : memref<2x4x8x1024xf32, #tpu.memory_space<vmem>>, vector<1x1x1x16xf32>,
        %swap3A_448 = vector.shape_cast %swap3A_447 : vector<1x1x1x16xf32> to vector<16xf32>
        %swap3A_449 = vector.shape_cast %add3A_256 : vector<16xf32> to vector<1x1x1x16xf32>
        tpu.vector_store %arg7[%swap3A_443, %swap3A_444, %swap3A_445, %swap3A_446], %swap3A_449 {add = true, strides = array<i32>} : memref<2x4x8x1024xf32, #tpu.memory_space<vmem>>, vector<1x1x1x16xf32>,
        %swap3A_450 = arith.constant 0 : i32
        %swap3A_451 = arith.constant 1 : i32
        %swap3A_452 = arith.constant 4 : i32
        %swap3A_453 = arith.index_cast %swap3A_450 : i32 to index
        %swap3A_454 = arith.index_cast %swap3A_451 : i32 to index
        %swap3A_455 = arith.index_cast %swap3A_452 : i32 to index
        %swap3A_456 = arith.index_cast %multiple_of3A : i32 to index
        %swap3A_457 = tpu.vector_load %arg7[%swap3A_453, %swap3A_454, %swap3A_455, %swap3A_456] {strides = array<i32>} : memref<2x4x8x1024xf32, #tpu.memory_space<vmem>>, vector<1x1x1x16xf32>,
        %swap3A_458 = vector.shape_cast %swap3A_457 : vector<1x1x1x16xf32> to vector<16xf32>
        %swap3A_459 = vector.shape_cast %add3A_256 : vector<16xf32> to vector<1x1x1x16xf32>
        tpu.vector_store %arg7[%swap3A_453, %swap3A_454, %swap3A_455, %swap3A_456], %swap3A_459 {add = true, strides = array<i32>} : memref<2x4x8x1024xf32, #tpu.memory_space<vmem>>, vector<1x1x1x16xf32>,
        %swap3A_460 = arith.constant 0 : i32
        %swap3A_461 = arith.constant 2 : i32
        %swap3A_462 = arith.constant 4 : i32
        %swap3A_463 = arith.index_cast %swap3A_460 : i32 to index
        %swap3A_464 = arith.index_cast %swap3A_461 : i32 to index
        %swap3A_465 = arith.index_cast %swap3A_462 : i32 to index
        %swap3A_466 = arith.index_cast %multiple_of3A : i32 to index
        %swap3A_467 = tpu.vector_load %arg7[%swap3A_463, %swap3A_464, %swap3A_465, %swap3A_466] {strides = array<i32>} : memref<2x4x8x1024xf32, #tpu.memory_space<vmem>>, vector<1x1x1x16xf32>,
        %swap3A_468 = vector.shape_cast %swap3A_467 : vector<1x1x1x16xf32> to vector<16xf32>
        %swap3A_469 = vector.shape_cast %add3A_256 : vector<16xf32> to vector<1x1x1x16xf32>
        tpu.vector_store %arg7[%swap3A_463, %swap3A_464, %swap3A_465, %swap3A_466], %swap3A_469 {add = true, strides = array<i32>} : memref<2x4x8x1024xf32, #tpu.memory_space<vmem>>, vector<1x1x1x16xf32>,
        %swap3A_470 = arith.constant 0 : i32
        %swap3A_471 = arith.constant 3 : i32
        %swap3A_472 = arith.constant 4 : i32
        %swap3A_473 = arith.index_cast %swap3A_470 : i32 to index
        %swap3A_474 = arith.index_cast %swap3A_471 : i32 to index
        %swap3A_475 = arith.index_cast %swap3A_472 : i32 to index
        %swap3A_476 = arith.index_cast %multiple_of3A : i32 to index
        %swap3A_477 = tpu.vector_load %arg7[%swap3A_473, %swap3A_474, %swap3A_475, %swap3A_476] {strides = array<i32>} : memref<2x4x8x1024xf32, #tpu.memory_space<vmem>>, vector<1x1x1x16xf32>,
        %swap3A_478 = vector.shape_cast %swap3A_477 : vector<1x1x1x16xf32> to vector<16xf32>
        %swap3A_479 = vector.shape_cast %add3A_256 : vector<16xf32> to vector<1x1x1x16xf32>
        tpu.vector_store %arg7[%swap3A_473, %swap3A_474, %swap3A_475, %swap3A_476], %swap3A_479 {add = true, strides = array<i32>} : memref<2x4x8x1024xf32, #tpu.memory_space<vmem>>, vector<1x1x1x16xf32>,
        %swap3A_480 = arith.constant 0 : i32
        %swap3A_481 = arith.constant 0 : i32
        %swap3A_482 = arith.constant 5 : i32
        %swap3A_483 = arith.index_cast %swap3A_480 : i32 to index
        %swap3A_484 = arith.index_cast %swap3A_481 : i32 to index
        %swap3A_485 = arith.index_cast %swap3A_482 : i32 to index
        %swap3A_486 = arith.index_cast %multiple_of3A : i32 to index
        %swap3A_487 = tpu.vector_load %arg7[%swap3A_483, %swap3A_484, %swap3A_485, %swap3A_486] {strides = array<i32>} : memref<2x4x8x1024xf32, #tpu.memory_space<vmem>>, vector<1x1x1x16xf32>,
        %swap3A_488 = vector.shape_cast %swap3A_487 : vector<1x1x1x16xf32> to vector<16xf32>
        %swap3A_489 = vector.shape_cast %add3A_264 : vector<16xf32> to vector<1x1x1x16xf32>
        tpu.vector_store %arg7[%swap3A_483, %swap3A_484, %swap3A_485, %swap3A_486], %swap3A_489 {add = true, strides = array<i32>} : memref<2x4x8x1024xf32, #tpu.memory_space<vmem>>, vector<1x1x1x16xf32>,
        %swap3A_490 = arith.constant 0 : i32
        %swap3A_491 = arith.constant 1 : i32
        %swap3A_492 = arith.constant 5 : i32
        %swap3A_493 = arith.index_cast %swap3A_490 : i32 to index
        %swap3A_494 = arith.index_cast %swap3A_491 : i32 to index
        %swap3A_495 = arith.index_cast %swap3A_492 : i32 to index
        %swap3A_496 = arith.index_cast %multiple_of3A : i32 to index
        %swap3A_497 = tpu.vector_load %arg7[%swap3A_493, %swap3A_494, %swap3A_495, %swap3A_496] {strides = array<i32>} : memref<2x4x8x1024xf32, #tpu.memory_space<vmem>>, vector<1x1x1x16xf32>,
        %swap3A_498 = vector.shape_cast %swap3A_497 : vector<1x1x1x16xf32> to vector<16xf32>
        %swap3A_499 = vector.shape_cast %add3A_264 : vector<16xf32> to vector<1x1x1x16xf32>
        tpu.vector_store %arg7[%swap3A_493, %swap3A_494, %swap3A_495, %swap3A_496], %swap3A_499 {add = true, strides = array<i32>} : memref<2x4x8x1024xf32, #tpu.memory_space<vmem>>, vector<1x1x1x16xf32>,
        %swap3A_500 = arith.constant 0 : i32
        %swap3A_501 = arith.constant 2 : i32
        %swap3A_502 = arith.constant 5 : i32
        %swap3A_503 = arith.index_cast %swap3A_500 : i32 to index
        %swap3A_504 = arith.index_cast %swap3A_501 : i32 to index
        %swap3A_505 = arith.index_cast %swap3A_502 : i32 to index
        %swap3A_506 = arith.index_cast %multiple_of3A : i32 to index
        %swap3A_507 = tpu.vector_load %arg7[%swap3A_503, %swap3A_504, %swap3A_505, %swap3A_506] {strides = array<i32>} : memref<2x4x8x1024xf32, #tpu.memory_space<vmem>>, vector<1x1x1x16xf32>,
        %swap3A_508 = vector.shape_cast %swap3A_507 : vector<1x1x1x16xf32> to vector<16xf32>
        %swap3A_509 = vector.shape_cast %add3A_264 : vector<16xf32> to vector<1x1x1x16xf32>
        tpu.vector_store %arg7[%swap3A_503, %swap3A_504, %swap3A_505, %swap3A_506], %swap3A_509 {add = true, strides = array<i32>} : memref<2x4x8x1024xf32, #tpu.memory_space<vmem>>, vector<1x1x1x16xf32>,
        %swap3A_510 = arith.constant 0 : i32
        %swap3A_511 = arith.constant 3 : i32
        %swap3A_512 = arith.constant 5 : i32
        %swap3A_513 = arith.index_cast %swap3A_510 : i32 to index
        %swap3A_514 = arith.index_cast %swap3A_511 : i32 to index
        %swap3A_515 = arith.index_cast %swap3A_512 : i32 to index
        %swap3A_516 = arith.index_cast %multiple_of3A : i32 to index
        %swap3A_517 = tpu.vector_load %arg7[%swap3A_513, %swap3A_514, %swap3A_515, %swap3A_516] {strides = array<i32>} : memref<2x4x8x1024xf32, #tpu.memory_space<vmem>>, vector<1x1x1x16xf32>,
        %swap3A_518 = vector.shape_cast %swap3A_517 : vector<1x1x1x16xf32> to vector<16xf32>
        %swap3A_519 = vector.shape_cast %add3A_264 : vector<16xf32> to vector<1x1x1x16xf32>
        tpu.vector_store %arg7[%swap3A_513, %swap3A_514, %swap3A_515, %swap3A_516], %swap3A_519 {add = true, strides = array<i32>} : memref<2x4x8x1024xf32, #tpu.memory_space<vmem>>, vector<1x1x1x16xf32>,
        %swap3A_520 = arith.constant 0 : i32
        %swap3A_521 = arith.constant 0 : i32
        %swap3A_522 = arith.constant 6 : i32
        %swap3A_523 = arith.index_cast %swap3A_520 : i32 to index
        %swap3A_524 = arith.index_cast %swap3A_521 : i32 to index
        %swap3A_525 = arith.index_cast %swap3A_522 : i32 to index
        %swap3A_526 = arith.index_cast %multiple_of3A : i32 to index
        %swap3A_527 = tpu.vector_load %arg7[%swap3A_523, %swap3A_524, %swap3A_525, %swap3A_526] {strides = array<i32>} : memref<2x4x8x1024xf32, #tpu.memory_space<vmem>>, vector<1x1x1x16xf32>,
        %swap3A_528 = vector.shape_cast %swap3A_527 : vector<1x1x1x16xf32> to vector<16xf32>
        %swap3A_529 = vector.shape_cast %add3A_272 : vector<16xf32> to vector<1x1x1x16xf32>
        tpu.vector_store %arg7[%swap3A_523, %swap3A_524, %swap3A_525, %swap3A_526], %swap3A_529 {add = true, strides = array<i32>} : memref<2x4x8x1024xf32, #tpu.memory_space<vmem>>, vector<1x1x1x16xf32>,
        %swap3A_530 = arith.constant 0 : i32
        %swap3A_531 = arith.constant 1 : i32
        %swap3A_532 = arith.constant 6 : i32
        %swap3A_533 = arith.index_cast %swap3A_530 : i32 to index
        %swap3A_534 = arith.index_cast %swap3A_531 : i32 to index
        %swap3A_535 = arith.index_cast %swap3A_532 : i32 to index
        %swap3A_536 = arith.index_cast %multiple_of3A : i32 to index
        %swap3A_537 = tpu.vector_load %arg7[%swap3A_533, %swap3A_534, %swap3A_535, %swap3A_536] {strides = array<i32>} : memref<2x4x8x1024xf32, #tpu.memory_space<vmem>>, vector<1x1x1x16xf32>,
        %swap3A_538 = vector.shape_cast %swap3A_537 : vector<1x1x1x16xf32> to vector<16xf32>
        %swap3A_539 = vector.shape_cast %add3A_272 : vector<16xf32> to vector<1x1x1x16xf32>
        tpu.vector_store %arg7[%swap3A_533, %swap3A_534, %swap3A_535, %swap3A_536], %swap3A_539 {add = true, strides = array<i32>} : memref<2x4x8x1024xf32, #tpu.memory_space<vmem>>, vector<1x1x1x16xf32>,
        %swap3A_540 = arith.constant 0 : i32
        %swap3A_541 = arith.constant 2 : i32
        %swap3A_542 = arith.constant 6 : i32
        %swap3A_543 = arith.index_cast %swap3A_540 : i32 to index
        %swap3A_544 = arith.index_cast %swap3A_541 : i32 to index
        %swap3A_545 = arith.index_cast %swap3A_542 : i32 to index
        %swap3A_546 = arith.index_cast %multiple_of3A : i32 to index
        %swap3A_547 = tpu.vector_load %arg7[%swap3A_543, %swap3A_544, %swap3A_545, %swap3A_546] {strides = array<i32>} : memref<2x4x8x1024xf32, #tpu.memory_space<vmem>>, vector<1x1x1x16xf32>,
        %swap3A_548 = vector.shape_cast %swap3A_547 : vector<1x1x1x16xf32> to vector<16xf32>
        %swap3A_549 = vector.shape_cast %add3A_272 : vector<16xf32> to vector<1x1x1x16xf32>
        tpu.vector_store %arg7[%swap3A_543, %swap3A_544, %swap3A_545, %swap3A_546], %swap3A_549 {add = true, strides = array<i32>} : memref<2x4x8x1024xf32, #tpu.memory_space<vmem>>, vector<1x1x1x16xf32>,
        %swap3A_550 = arith.constant 0 : i32
        %swap3A_551 = arith.constant 3 : i32
        %swap3A_552 = arith.constant 6 : i32
        %swap3A_553 = arith.index_cast %swap3A_550 : i32 to index
        %swap3A_554 = arith.index_cast %swap3A_551 : i32 to index
        %swap3A_555 = arith.index_cast %swap3A_552 : i32 to index
        %swap3A_556 = arith.index_cast %multiple_of3A : i32 to index
        %swap3A_557 = tpu.vector_load %arg7[%swap3A_553, %swap3A_554, %swap3A_555, %swap3A_556] {strides = array<i32>} : memref<2x4x8x1024xf32, #tpu.memory_space<vmem>>, vector<1x1x1x16xf32>,
        %swap3A_558 = vector.shape_cast %swap3A_557 : vector<1x1x1x16xf32> to vector<16xf32>
        %swap3A_559 = vector.shape_cast %add3A_272 : vector<16xf32> to vector<1x1x1x16xf32>
        tpu.vector_store %arg7[%swap3A_553, %swap3A_554, %swap3A_555, %swap3A_556], %swap3A_559 {add = true, strides = array<i32>} : memref<2x4x8x1024xf32, #tpu.memory_space<vmem>>, vector<1x1x1x16xf32>,
        %swap3A_560 = arith.constant 0 : i32
        %swap3A_561 = arith.constant 0 : i32
        %swap3A_562 = arith.constant 7 : i32
        %swap3A_563 = arith.index_cast %swap3A_560 : i32 to index
        %swap3A_564 = arith.index_cast %swap3A_561 : i32 to index
        %swap3A_565 = arith.index_cast %swap3A_562 : i32 to index
        %swap3A_566 = arith.index_cast %multiple_of3A : i32 to index
        %swap3A_567 = tpu.vector_load %arg7[%swap3A_563, %swap3A_564, %swap3A_565, %swap3A_566] {strides = array<i32>} : memref<2x4x8x1024xf32, #tpu.memory_space<vmem>>, vector<1x1x1x16xf32>,
        %swap3A_568 = vector.shape_cast %swap3A_567 : vector<1x1x1x16xf32> to vector<16xf32>
        %swap3A_569 = vector.shape_cast %add3A_280 : vector<16xf32> to vector<1x1x1x16xf32>
        tpu.vector_store %arg7[%swap3A_563, %swap3A_564, %swap3A_565, %swap3A_566], %swap3A_569 {add = true, strides = array<i32>} : memref<2x4x8x1024xf32, #tpu.memory_space<vmem>>, vector<1x1x1x16xf32>,
        %swap3A_570 = arith.constant 0 : i32
        %swap3A_571 = arith.constant 1 : i32
        %swap3A_572 = arith.constant 7 : i32
        %swap3A_573 = arith.index_cast %swap3A_570 : i32 to index
        %swap3A_574 = arith.index_cast %swap3A_571 : i32 to index
        %swap3A_575 = arith.index_cast %swap3A_572 : i32 to index
        %swap3A_576 = arith.index_cast %multiple_of3A : i32 to index
        %swap3A_577 = tpu.vector_load %arg7[%swap3A_573, %swap3A_574, %swap3A_575, %swap3A_576] {strides = array<i32>} : memref<2x4x8x1024xf32, #tpu.memory_space<vmem>>, vector<1x1x1x16xf32>,
        %swap3A_578 = vector.shape_cast %swap3A_577 : vector<1x1x1x16xf32> to vector<16xf32>
        %swap3A_579 = vector.shape_cast %add3A_280 : vector<16xf32> to vector<1x1x1x16xf32>
        tpu.vector_store %arg7[%swap3A_573, %swap3A_574, %swap3A_575, %swap3A_576], %swap3A_579 {add = true, strides = array<i32>} : memref<2x4x8x1024xf32, #tpu.memory_space<vmem>>, vector<1x1x1x16xf32>,
        %swap3A_580 = arith.constant 0 : i32
        %swap3A_581 = arith.constant 2 : i32
        %swap3A_582 = arith.constant 7 : i32
        %swap3A_583 = arith.index_cast %swap3A_580 : i32 to index
        %swap3A_584 = arith.index_cast %swap3A_581 : i32 to index
        %swap3A_585 = arith.index_cast %swap3A_582 : i32 to index
        %swap3A_586 = arith.index_cast %multiple_of3A : i32 to index
        %swap3A_587 = tpu.vector_load %arg7[%swap3A_583, %swap3A_584, %swap3A_585, %swap3A_586] {strides = array<i32>} : memref<2x4x8x1024xf32, #tpu.memory_space<vmem>>, vector<1x1x1x16xf32>,
        %swap3A_588 = vector.shape_cast %swap3A_587 : vector<1x1x1x16xf32> to vector<16xf32>
        %swap3A_589 = vector.shape_cast %add3A_280 : vector<16xf32> to vector<1x1x1x16xf32>
        tpu.vector_store %arg7[%swap3A_583, %swap3A_584, %swap3A_585, %swap3A_586], %swap3A_589 {add = true, strides = array<i32>} : memref<2x4x8x1024xf32, #tpu.memory_space<vmem>>, vector<1x1x1x16xf32>,
        %swap3A_590 = arith.constant 0 : i32
        %swap3A_591 = arith.constant 3 : i32
        %swap3A_592 = arith.constant 7 : i32
        %swap3A_593 = arith.index_cast %swap3A_590 : i32 to index
        %swap3A_594 = arith.index_cast %swap3A_591 : i32 to index
        %swap3A_595 = arith.index_cast %swap3A_592 : i32 to index
        %swap3A_596 = arith.index_cast %multiple_of3A : i32 to index
        %swap3A_597 = tpu.vector_load %arg7[%swap3A_593, %swap3A_594, %swap3A_595, %swap3A_596] {strides = array<i32>} : memref<2x4x8x1024xf32, #tpu.memory_space<vmem>>, vector<1x1x1x16xf32>,
        %swap3A_598 = vector.shape_cast %swap3A_597 : vector<1x1x1x16xf32> to vector<16xf32>
        %swap3A_599 = vector.shape_cast %add3A_280 : vector<16xf32> to vector<1x1x1x16xf32>
        tpu.vector_store %arg7[%swap3A_593, %swap3A_594, %swap3A_595, %swap3A_596], %swap3A_599 {add = true, strides = array<i32>} : memref<2x4x8x1024xf32, #tpu.memory_space<vmem>>, vector<1x1x1x16xf32>,
      }
      %scan3A_114 = arith.constant 64 : i32
      %mul3A_115 = arith.constant 8 : i32
      %mul3A_116 = arith.muli %add3A_67, %mul3A_115 : i32
      %add3A_117 = arith.addi %mul3A_2, %mul3A_116 : i32
      %dma_start3A_118 = arith.constant 0 : i32
      %dma_start3A_119 = arith.constant 0 : i32
      %dma_start3A_120 = arith.constant 0 : i32
      %dma_start3A_121 = arith.constant 0 : i32
      %dma_start3A_122 = tpu.memref_slice %arg7[%dma_start3A_118, %dma_start3A_119, %dma_start3A_120, %dma_start3A_121] : memref<2x4x8x1024xf32, #tpu.memory_space<vmem>> -> memref<1x4x8x1024xf32, #tpu.memory_space<vmem>>
      %dma_start3A_123 = tpu.memref_squeeze %dma_start3A_122 : memref<1x4x8x1024xf32, #tpu.memory_space<vmem>> -> memref<4x8x1024xf32, #tpu.memory_space<vmem>>
      %dma_start3A_124 = arith.constant 0 : i32
      %dma_start3A_125 = arith.constant 0 : i32
      %dma_start3A_126 = tpu.memref_slice %arg6[%dma_start3A_124, %add3A_117, %dma_start3A_125] : memref<4x4096x1024xf32, #tpu.memory_space<hbm>> -> memref<4x8x1024xf32, #tpu.memory_space<hbm>>
      %dma_start3A_127 = arith.constant 0 : i32
      %dma_start3A_128 = arith.constant 0 : i32
      %dma_start3A_129 = tpu.memref_slice %arg6[%dma_start3A_127, %add3A_117, %dma_start3A_128] : memref<4x4096x1024xf32, #tpu.memory_space<hbm>> -> memref<4x8x1024xf32, #tpu.memory_space<hbm>>
      %dma_start3A_130 = arith.constant 0 : i32
      %dma_start3A_131 = arith.constant 0 : i32
      %dma_start3A_132 = arith.constant 0 : i32
      %dma_start3A_133 = tpu.memref_slice %arg7[%dma_start3A_118, %dma_start3A_130, %dma_start3A_131, %dma_start3A_132] : memref<2x4x8x1024xf32, #tpu.memory_space<vmem>> -> memref<1x4x8x1024xf32, #tpu.memory_space<vmem>>
      %dma_start3A_134 = tpu.memref_squeeze %dma_start3A_133 : memref<1x4x8x1024xf32, #tpu.memory_space<vmem>> -> memref<4x8x1024xf32, #tpu.memory_space<vmem>>
      tpu.enqueue_dma source(%dma_start3A_134 : memref<4x8x1024xf32, #tpu.memory_space<vmem>>) target(%dma_start3A_129 : memref<4x8x1024xf32, #tpu.memory_space<hbm>>) target_semaphore(%arg13 : memref<!tpu.dma_semaphore, #tpu.memory_space<semaphore_mem>>)
      %mul3A_135 = arith.constant 2 : i32
      %mul3A_136 = arith.muli %scan3A_63, %mul3A_135 : i32
      %add3A_137 = arith.constant 1 : i32
      %add3A_138 = arith.addi %mul3A_136, %add3A_137 : i32
      %ge3A_139 = arith.constant 1 : i32
      %ge3A_140 = arith.cmpi sge, %add3A_138, %ge3A_139 : i32
      %convert_element_type3A_141 = arith.extui %ge3A_140 : i1 to i32
      %cond3A_142 = arith.constant 0 : i32
      %cond3A_143 = arith.cmpi ne, %convert_element_type3A_141, %cond3A_142 : i32
      scf.if %cond3A_143 {
        %sub3A = arith.constant 1 : i32
        %sub3A_210 = arith.subi %add3A_138, %sub3A : i32
        %mul3A_211 = arith.constant 8 : i32
        %mul3A_212 = arith.muli %sub3A_210, %mul3A_211 : i32
        %add3A_213 = arith.addi %mul3A_2, %mul3A_212 : i32
        %dma_wait3A_214 = arith.constant 0 : i32
        %dma_wait3A_215 = arith.constant 0 : i32
        %dma_wait3A_216 = arith.constant 0 : i32
        %dma_wait3A_217 = arith.constant 0 : i32
        %dma_wait3A_218 = tpu.memref_slice %arg7[%dma_wait3A_214, %dma_wait3A_215, %dma_wait3A_216, %dma_wait3A_217] : memref<2x4x8x1024xf32, #tpu.memory_space<vmem>> -> memref<1x4x8x1024xf32, #tpu.memory_space<vmem>>
        %dma_wait3A_219 = tpu.memref_squeeze %dma_wait3A_218 : memref<1x4x8x1024xf32, #tpu.memory_space<vmem>> -> memref<4x8x1024xf32, #tpu.memory_space<vmem>>
        %dma_wait3A_220 = arith.constant 0 : i32
        %dma_wait3A_221 = arith.constant 0 : i32
        %dma_wait3A_222 = tpu.memref_slice %arg6[%dma_wait3A_220, %add3A_213, %dma_wait3A_221] : memref<4x4096x1024xf32, #tpu.memory_space<hbm>> -> memref<4x8x1024xf32, #tpu.memory_space<hbm>>
        %dma_wait3A_223 = arith.constant 0 : i32
        %dma_wait3A_224 = arith.constant 0 : i32
        %dma_wait3A_225 = tpu.memref_slice %arg6[%dma_wait3A_223, %add3A_213, %dma_wait3A_224] : memref<4x4096x1024xf32, #tpu.memory_space<hbm>> -> memref<4x8x1024xf32, #tpu.memory_space<hbm>>
        %dma_wait3A_226 = arith.constant 0 : i32
        %dma_wait3A_227 = arith.constant 0 : i32
        %dma_wait3A_228 = arith.constant 0 : i32
        %dma_wait3A_229 = tpu.memref_slice %arg7[%dma_wait3A_214, %dma_wait3A_226, %dma_wait3A_227, %dma_wait3A_228] : memref<2x4x8x1024xf32, #tpu.memory_space<vmem>> -> memref<1x4x8x1024xf32, #tpu.memory_space<vmem>>
        %dma_wait3A_230 = tpu.memref_squeeze %dma_wait3A_229 : memref<1x4x8x1024xf32, #tpu.memory_space<vmem>> -> memref<4x8x1024xf32, #tpu.memory_space<vmem>>
        tpu.wait_dma2 semaphore(%arg13 : memref<!tpu.dma_semaphore, #tpu.memory_space<semaphore_mem>>) src(%dma_wait3A_230 : memref<4x8x1024xf32, #tpu.memory_space<vmem>>) dst(%dma_wait3A_225 : memref<4x8x1024xf32, #tpu.memory_space<hbm>>)
      } else {
      }
      %add3A_144 = arith.constant 1 : i32
      %add3A_145 = arith.addi %add3A_138, %add3A_144 : i32
      %lt3A_146 = arith.constant 16 : i32
      %lt3A_147 = arith.cmpi slt, %add3A_145, %lt3A_146 : i32
      %convert_element_type3A_148 = arith.extui %lt3A_147 : i1 to i32
      %cond3A_149 = arith.constant 0 : i32
      %cond3A_150 = arith.cmpi ne, %convert_element_type3A_148, %cond3A_149 : i32
      scf.if %cond3A_150 {
        %add3A_210 = arith.constant 1 : i32
        %add3A_211 = arith.addi %add3A_138, %add3A_210 : i32
        %mul3A_212 = arith.constant 8 : i32
        %mul3A_213 = arith.muli %add3A_211, %mul3A_212 : i32
        %add3A_214 = arith.addi %mul3A_2, %mul3A_213 : i32
        %dma_start3A_215 = arith.constant 0 : i32
        %dma_start3A_216 = arith.constant 0 : i32
        %dma_start3A_217 = arith.constant 0 : i32
        %dma_start3A_218 = tpu.memref_slice %arg8[%dma_start3A_215, %dma_start3A_216, %dma_start3A_217] : memref<2x8x1024xf32, #tpu.memory_space<vmem>> -> memref<1x8x1024xf32, #tpu.memory_space<vmem>>
        %dma_start3A_219 = tpu.memref_squeeze %dma_start3A_218 : memref<1x8x1024xf32, #tpu.memory_space<vmem>> -> memref<8x1024xf32, #tpu.memory_space<vmem>>
        %dma_start3A_220 = arith.constant 0 : i32
        %dma_start3A_221 = tpu.memref_slice %arg4[%add3A_214, %dma_start3A_220] : memref<8192x1024xf32, #tpu.memory_space<hbm>> -> memref<8x1024xf32, #tpu.memory_space<hbm>>
        %dma_start3A_222 = arith.constant 0 : i32
        %dma_start3A_223 = arith.constant 0 : i32
        %dma_start3A_224 = tpu.memref_slice %arg8[%dma_start3A_215, %dma_start3A_222, %dma_start3A_223] : memref<2x8x1024xf32, #tpu.memory_space<vmem>> -> memref<1x8x1024xf32, #tpu.memory_space<vmem>>
        %dma_start3A_225 = tpu.memref_squeeze %dma_start3A_224 : memref<1x8x1024xf32, #tpu.memory_space<vmem>> -> memref<8x1024xf32, #tpu.memory_space<vmem>>
        %dma_start3A_226 = arith.constant 0 : i32
        %dma_start3A_227 = tpu.memref_slice %arg4[%add3A_214, %dma_start3A_226] : memref<8192x1024xf32, #tpu.memory_space<hbm>> -> memref<8x1024xf32, #tpu.memory_space<hbm>>
        tpu.enqueue_dma source(%dma_start3A_227 : memref<8x1024xf32, #tpu.memory_space<hbm>>) target(%dma_start3A_225 : memref<8x1024xf32, #tpu.memory_space<vmem>>) target_semaphore(%arg11 : memref<!tpu.dma_semaphore, #tpu.memory_space<semaphore_mem>>)
        %dma_start3A_228 = arith.constant 0 : i32
        %dma_start3A_229 = arith.constant 0 : i32
        %dma_start3A_230 = arith.constant 0 : i32
        %dma_start3A_231 = arith.constant 0 : i32
        %dma_start3A_232 = tpu.memref_slice %arg7[%dma_start3A_228, %dma_start3A_229, %dma_start3A_230, %dma_start3A_231] : memref<2x4x8x1024xf32, #tpu.memory_space<vmem>> -> memref<1x4x8x1024xf32, #tpu.memory_space<vmem>>
        %dma_start3A_233 = tpu.memref_squeeze %dma_start3A_232 : memref<1x4x8x1024xf32, #tpu.memory_space<vmem>> -> memref<4x8x1024xf32, #tpu.memory_space<vmem>>
        %dma_start3A_234 = arith.constant 0 : i32
        %dma_start3A_235 = arith.constant 0 : i32
        %dma_start3A_236 = tpu.memref_slice %arg2[%dma_start3A_234, %add3A_214, %dma_start3A_235] : memref<4x4096x1024xf32, #tpu.memory_space<hbm>> -> memref<4x8x1024xf32, #tpu.memory_space<hbm>>
        %dma_start3A_237 = arith.constant 0 : i32
        %dma_start3A_238 = arith.constant 0 : i32
        %dma_start3A_239 = arith.constant 0 : i32
        %dma_start3A_240 = tpu.memref_slice %arg7[%dma_start3A_228, %dma_start3A_237, %dma_start3A_238, %dma_start3A_239] : memref<2x4x8x1024xf32, #tpu.memory_space<vmem>> -> memref<1x4x8x1024xf32, #tpu.memory_space<vmem>>
        %dma_start3A_241 = tpu.memref_squeeze %dma_start3A_240 : memref<1x4x8x1024xf32, #tpu.memory_space<vmem>> -> memref<4x8x1024xf32, #tpu.memory_space<vmem>>
        %dma_start3A_242 = arith.constant 0 : i32
        %dma_start3A_243 = arith.constant 0 : i32
        %dma_start3A_244 = tpu.memref_slice %arg2[%dma_start3A_242, %add3A_214, %dma_start3A_243] : memref<4x4096x1024xf32, #tpu.memory_space<hbm>> -> memref<4x8x1024xf32, #tpu.memory_space<hbm>>
        tpu.enqueue_dma source(%dma_start3A_244 : memref<4x8x1024xf32, #tpu.memory_space<hbm>>) target(%dma_start3A_241 : memref<4x8x1024xf32, #tpu.memory_space<vmem>>) target_semaphore(%arg11 : memref<!tpu.dma_semaphore, #tpu.memory_space<semaphore_mem>>)
      } else {
      }
      %mul3A_151 = arith.constant 8 : i32
      %mul3A_152 = arith.muli %add3A_138, %mul3A_151 : i32
      %add3A_153 = arith.addi %mul3A_2, %mul3A_152 : i32
      %dma_wait3A_154 = arith.constant 1 : i32
      %dma_wait3A_155 = arith.constant 0 : i32
      %dma_wait3A_156 = arith.constant 0 : i32
      %dma_wait3A_157 = tpu.memref_slice %arg8[%dma_wait3A_154, %dma_wait3A_155, %dma_wait3A_156] : memref<2x8x1024xf32, #tpu.memory_space<vmem>> -> memref<1x8x1024xf32, #tpu.memory_space<vmem>>
      %dma_wait3A_158 = tpu.memref_squeeze %dma_wait3A_157 : memref<1x8x1024xf32, #tpu.memory_space<vmem>> -> memref<8x1024xf32, #tpu.memory_space<vmem>>
      %dma_wait3A_159 = arith.constant 0 : i32
      %dma_wait3A_160 = tpu.memref_slice %arg4[%add3A_153, %dma_wait3A_159] : memref<8192x1024xf32, #tpu.memory_space<hbm>> -> memref<8x1024xf32, #tpu.memory_space<hbm>>
      %dma_wait3A_161 = arith.constant 0 : i32
      %dma_wait3A_162 = arith.constant 0 : i32
      %dma_wait3A_163 = tpu.memref_slice %arg8[%dma_wait3A_154, %dma_wait3A_161, %dma_wait3A_162] : memref<2x8x1024xf32, #tpu.memory_space<vmem>> -> memref<1x8x1024xf32, #tpu.memory_space<vmem>>
      %dma_wait3A_164 = tpu.memref_squeeze %dma_wait3A_163 : memref<1x8x1024xf32, #tpu.memory_space<vmem>> -> memref<8x1024xf32, #tpu.memory_space<vmem>>
      %dma_wait3A_165 = arith.constant 0 : i32
      %dma_wait3A_166 = tpu.memref_slice %arg4[%add3A_153, %dma_wait3A_165] : memref<8192x1024xf32, #tpu.memory_space<hbm>> -> memref<8x1024xf32, #tpu.memory_space<hbm>>
      tpu.wait_dma2 semaphore(%arg12 : memref<!tpu.dma_semaphore, #tpu.memory_space<semaphore_mem>>) src(%dma_wait3A_166 : memref<8x1024xf32, #tpu.memory_space<hbm>>) dst(%dma_wait3A_164 : memref<8x1024xf32, #tpu.memory_space<vmem>>)
      %dma_wait3A_167 = arith.constant 1 : i32
      %dma_wait3A_168 = arith.constant 0 : i32
      %dma_wait3A_169 = arith.constant 0 : i32
      %dma_wait3A_170 = arith.constant 0 : i32
      %dma_wait3A_171 = tpu.memref_slice %arg7[%dma_wait3A_167, %dma_wait3A_168, %dma_wait3A_169, %dma_wait3A_170] : memref<2x4x8x1024xf32, #tpu.memory_space<vmem>> -> memref<1x4x8x1024xf32, #tpu.memory_space<vmem>>
      %dma_wait3A_172 = tpu.memref_squeeze %dma_wait3A_171 : memref<1x4x8x1024xf32, #tpu.memory_space<vmem>> -> memref<4x8x1024xf32, #tpu.memory_space<vmem>>
      %dma_wait3A_173 = arith.constant 0 : i32
      %dma_wait3A_174 = arith.constant 0 : i32
      %dma_wait3A_175 = tpu.memref_slice %arg2[%dma_wait3A_173, %add3A_153, %dma_wait3A_174] : memref<4x4096x1024xf32, #tpu.memory_space<hbm>> -> memref<4x8x1024xf32, #tpu.memory_space<hbm>>
      %dma_wait3A_176 = arith.constant 0 : i32
      %dma_wait3A_177 = arith.constant 0 : i32
      %dma_wait3A_178 = arith.constant 0 : i32
      %dma_wait3A_179 = tpu.memref_slice %arg7[%dma_wait3A_167, %dma_wait3A_176, %dma_wait3A_177, %dma_wait3A_178] : memref<2x4x8x1024xf32, #tpu.memory_space<vmem>> -> memref<1x4x8x1024xf32, #tpu.memory_space<vmem>>
      %dma_wait3A_180 = tpu.memref_squeeze %dma_wait3A_179 : memref<1x4x8x1024xf32, #tpu.memory_space<vmem>> -> memref<4x8x1024xf32, #tpu.memory_space<vmem>>
      %dma_wait3A_181 = arith.constant 0 : i32
      %dma_wait3A_182 = arith.constant 0 : i32
      %dma_wait3A_183 = tpu.memref_slice %arg2[%dma_wait3A_181, %add3A_153, %dma_wait3A_182] : memref<4x4096x1024xf32, #tpu.memory_space<hbm>> -> memref<4x8x1024xf32, #tpu.memory_space<hbm>>
      tpu.wait_dma2 semaphore(%arg12 : memref<!tpu.dma_semaphore, #tpu.memory_space<semaphore_mem>>) src(%dma_wait3A_183 : memref<4x8x1024xf32, #tpu.memory_space<hbm>>) dst(%dma_wait3A_180 : memref<4x8x1024xf32, #tpu.memory_space<vmem>>)
      %scan3A_184 = arith.constant 0 : i32
      %scan3A_185 = arith.constant 0 : i32
      %scan3A_186 = arith.constant 64 : i32
      %scan3A_187 = arith.addi %scan3A_185, %scan3A_186 : i32
      %scan3A_188 = arith.constant 1 : i32
      scf.for %scan3A_210 = %scan3A_185 to %scan3A_187 step %scan3A_188  : i32 {
        %mul3A_211 = arith.constant 16 : i32
        %mul3A_212 = arith.muli %scan3A_210, %mul3A_211 : i32
        %multiple_of3A = tpu.assume_multiple %mul3A_212, 16 : i32
        %get3A = arith.constant 0 : i32
        %get3A_213 = arith.index_cast %get3A : i32 to index
        %get3A_214 = arith.index_cast %multiple_of3A : i32 to index
        %get3A_215 = tpu.vector_load %arg9[%get3A_213, %get3A_214] {strides = array<i32>} : memref<1x1024xf32, #tpu.memory_space<vmem>>, vector<1x16xf32>,
        %get3A_216 = vector.shape_cast %get3A_215 : vector<1x16xf32> to vector<16xf32>
        %get3A_217 = arith.constant 1 : i32
        %get3A_218 = arith.constant 0 : i32
        %get3A_219 = arith.index_cast %get3A_217 : i32 to index
        %get3A_220 = arith.index_cast %get3A_218 : i32 to index
        %get3A_221 = arith.index_cast %multiple_of3A : i32 to index
        %get3A_222 = tpu.vector_load %arg8[%get3A_219, %get3A_220, %get3A_221] {strides = array<i32>} : memref<2x8x1024xf32, #tpu.memory_space<vmem>>, vector<1x1x16xf32>,
        %get3A_223 = vector.shape_cast %get3A_222 : vector<1x1x16xf32> to vector<16xf32>
        %add3A_224 = arith.addf %get3A_223, %get3A_216 : vector<16xf32>
        %get3A_225 = arith.constant 1 : i32
        %get3A_226 = arith.constant 1 : i32
        %get3A_227 = arith.index_cast %get3A_225 : i32 to index
        %get3A_228 = arith.index_cast %get3A_226 : i32 to index
        %get3A_229 = arith.index_cast %multiple_of3A : i32 to index
        %get3A_230 = tpu.vector_load %arg8[%get3A_227, %get3A_228, %get3A_229] {strides = array<i32>} : memref<2x8x1024xf32, #tpu.memory_space<vmem>>, vector<1x1x16xf32>,
        %get3A_231 = vector.shape_cast %get3A_230 : vector<1x1x16xf32> to vector<16xf32>
        %add3A_232 = arith.addf %get3A_231, %get3A_216 : vector<16xf32>
        %get3A_233 = arith.constant 1 : i32
        %get3A_234 = arith.constant 2 : i32
        %get3A_235 = arith.index_cast %get3A_233 : i32 to index
        %get3A_236 = arith.index_cast %get3A_234 : i32 to index
        %get3A_237 = arith.index_cast %multiple_of3A : i32 to index
        %get3A_238 = tpu.vector_load %arg8[%get3A_235, %get3A_236, %get3A_237] {strides = array<i32>} : memref<2x8x1024xf32, #tpu.memory_space<vmem>>, vector<1x1x16xf32>,
        %get3A_239 = vector.shape_cast %get3A_238 : vector<1x1x16xf32> to vector<16xf32>
        %add3A_240 = arith.addf %get3A_239, %get3A_216 : vector<16xf32>
        %get3A_241 = arith.constant 1 : i32
        %get3A_242 = arith.constant 3 : i32
        %get3A_243 = arith.index_cast %get3A_241 : i32 to index
        %get3A_244 = arith.index_cast %get3A_242 : i32 to index
        %get3A_245 = arith.index_cast %multiple_of3A : i32 to index
        %get3A_246 = tpu.vector_load %arg8[%get3A_243, %get3A_244, %get3A_245] {strides = array<i32>} : memref<2x8x1024xf32, #tpu.memory_space<vmem>>, vector<1x1x16xf32>,
        %get3A_247 = vector.shape_cast %get3A_246 : vector<1x1x16xf32> to vector<16xf32>
        %add3A_248 = arith.addf %get3A_247, %get3A_216 : vector<16xf32>
        %get3A_249 = arith.constant 1 : i32
        %get3A_250 = arith.constant 4 : i32
        %get3A_251 = arith.index_cast %get3A_249 : i32 to index
        %get3A_252 = arith.index_cast %get3A_250 : i32 to index
        %get3A_253 = arith.index_cast %multiple_of3A : i32 to index
        %get3A_254 = tpu.vector_load %arg8[%get3A_251, %get3A_252, %get3A_253] {strides = array<i32>} : memref<2x8x1024xf32, #tpu.memory_space<vmem>>, vector<1x1x16xf32>,
        %get3A_255 = vector.shape_cast %get3A_254 : vector<1x1x16xf32> to vector<16xf32>
        %add3A_256 = arith.addf %get3A_255, %get3A_216 : vector<16xf32>
        %get3A_257 = arith.constant 1 : i32
        %get3A_258 = arith.constant 5 : i32
        %get3A_259 = arith.index_cast %get3A_257 : i32 to index
        %get3A_260 = arith.index_cast %get3A_258 : i32 to index
        %get3A_261 = arith.index_cast %multiple_of3A : i32 to index
        %get3A_262 = tpu.vector_load %arg8[%get3A_259, %get3A_260, %get3A_261] {strides = array<i32>} : memref<2x8x1024xf32, #tpu.memory_space<vmem>>, vector<1x1x16xf32>,
        %get3A_263 = vector.shape_cast %get3A_262 : vector<1x1x16xf32> to vector<16xf32>
        %add3A_264 = arith.addf %get3A_263, %get3A_216 : vector<16xf32>
        %get3A_265 = arith.constant 1 : i32
        %get3A_266 = arith.constant 6 : i32
        %get3A_267 = arith.index_cast %get3A_265 : i32 to index
        %get3A_268 = arith.index_cast %get3A_266 : i32 to index
        %get3A_269 = arith.index_cast %multiple_of3A : i32 to index
        %get3A_270 = tpu.vector_load %arg8[%get3A_267, %get3A_268, %get3A_269] {strides = array<i32>} : memref<2x8x1024xf32, #tpu.memory_space<vmem>>, vector<1x1x16xf32>,
        %get3A_271 = vector.shape_cast %get3A_270 : vector<1x1x16xf32> to vector<16xf32>
        %add3A_272 = arith.addf %get3A_271, %get3A_216 : vector<16xf32>
        %get3A_273 = arith.constant 1 : i32
        %get3A_274 = arith.constant 7 : i32
        %get3A_275 = arith.index_cast %get3A_273 : i32 to index
        %get3A_276 = arith.index_cast %get3A_274 : i32 to index
        %get3A_277 = arith.index_cast %multiple_of3A : i32 to index
        %get3A_278 = tpu.vector_load %arg8[%get3A_275, %get3A_276, %get3A_277] {strides = array<i32>} : memref<2x8x1024xf32, #tpu.memory_space<vmem>>, vector<1x1x16xf32>,
        %get3A_279 = vector.shape_cast %get3A_278 : vector<1x1x16xf32> to vector<16xf32>
        %add3A_280 = arith.addf %get3A_279, %get3A_216 : vector<16xf32>
        %swap3A = arith.constant 1 : i32
        %swap3A_281 = arith.constant 0 : i32
        %swap3A_282 = arith.constant 0 : i32
        %swap3A_283 = arith.index_cast %swap3A : i32 to index
        %swap3A_284 = arith.index_cast %swap3A_281 : i32 to index
        %swap3A_285 = arith.index_cast %swap3A_282 : i32 to index
        %swap3A_286 = arith.index_cast %multiple_of3A : i32 to index
        %swap3A_287 = tpu.vector_load %arg7[%swap3A_283, %swap3A_284, %swap3A_285, %swap3A_286] {strides = array<i32>} : memref<2x4x8x1024xf32, #tpu.memory_space<vmem>>, vector<1x1x1x16xf32>,
        %swap3A_288 = vector.shape_cast %swap3A_287 : vector<1x1x1x16xf32> to vector<16xf32>
        %swap3A_289 = vector.shape_cast %add3A_224 : vector<16xf32> to vector<1x1x1x16xf32>
        tpu.vector_store %arg7[%swap3A_283, %swap3A_284, %swap3A_285, %swap3A_286], %swap3A_289 {add = true, strides = array<i32>} : memref<2x4x8x1024xf32, #tpu.memory_space<vmem>>, vector<1x1x1x16xf32>,
        %swap3A_290 = arith.constant 1 : i32
        %swap3A_291 = arith.constant 1 : i32
        %swap3A_292 = arith.constant 0 : i32
        %swap3A_293 = arith.index_cast %swap3A_290 : i32 to index
        %swap3A_294 = arith.index_cast %swap3A_291 : i32 to index
        %swap3A_295 = arith.index_cast %swap3A_292 : i32 to index
        %swap3A_296 = arith.index_cast %multiple_of3A : i32 to index
        %swap3A_297 = tpu.vector_load %arg7[%swap3A_293, %swap3A_294, %swap3A_295, %swap3A_296] {strides = array<i32>} : memref<2x4x8x1024xf32, #tpu.memory_space<vmem>>, vector<1x1x1x16xf32>,
        %swap3A_298 = vector.shape_cast %swap3A_297 : vector<1x1x1x16xf32> to vector<16xf32>
        %swap3A_299 = vector.shape_cast %add3A_224 : vector<16xf32> to vector<1x1x1x16xf32>
        tpu.vector_store %arg7[%swap3A_293, %swap3A_294, %swap3A_295, %swap3A_296], %swap3A_299 {add = true, strides = array<i32>} : memref<2x4x8x1024xf32, #tpu.memory_space<vmem>>, vector<1x1x1x16xf32>,
        %swap3A_300 = arith.constant 1 : i32
        %swap3A_301 = arith.constant 2 : i32
        %swap3A_302 = arith.constant 0 : i32
        %swap3A_303 = arith.index_cast %swap3A_300 : i32 to index
        %swap3A_304 = arith.index_cast %swap3A_301 : i32 to index
        %swap3A_305 = arith.index_cast %swap3A_302 : i32 to index
        %swap3A_306 = arith.index_cast %multiple_of3A : i32 to index
        %swap3A_307 = tpu.vector_load %arg7[%swap3A_303, %swap3A_304, %swap3A_305, %swap3A_306] {strides = array<i32>} : memref<2x4x8x1024xf32, #tpu.memory_space<vmem>>, vector<1x1x1x16xf32>,
        %swap3A_308 = vector.shape_cast %swap3A_307 : vector<1x1x1x16xf32> to vector<16xf32>
        %swap3A_309 = vector.shape_cast %add3A_224 : vector<16xf32> to vector<1x1x1x16xf32>
        tpu.vector_store %arg7[%swap3A_303, %swap3A_304, %swap3A_305, %swap3A_306], %swap3A_309 {add = true, strides = array<i32>} : memref<2x4x8x1024xf32, #tpu.memory_space<vmem>>, vector<1x1x1x16xf32>,
        %swap3A_310 = arith.constant 1 : i32
        %swap3A_311 = arith.constant 3 : i32
        %swap3A_312 = arith.constant 0 : i32
        %swap3A_313 = arith.index_cast %swap3A_310 : i32 to index
        %swap3A_314 = arith.index_cast %swap3A_311 : i32 to index
        %swap3A_315 = arith.index_cast %swap3A_312 : i32 to index
        %swap3A_316 = arith.index_cast %multiple_of3A : i32 to index
        %swap3A_317 = tpu.vector_load %arg7[%swap3A_313, %swap3A_314, %swap3A_315, %swap3A_316] {strides = array<i32>} : memref<2x4x8x1024xf32, #tpu.memory_space<vmem>>, vector<1x1x1x16xf32>,
        %swap3A_318 = vector.shape_cast %swap3A_317 : vector<1x1x1x16xf32> to vector<16xf32>
        %swap3A_319 = vector.shape_cast %add3A_224 : vector<16xf32> to vector<1x1x1x16xf32>
        tpu.vector_store %arg7[%swap3A_313, %swap3A_314, %swap3A_315, %swap3A_316], %swap3A_319 {add = true, strides = array<i32>} : memref<2x4x8x1024xf32, #tpu.memory_space<vmem>>, vector<1x1x1x16xf32>,
        %swap3A_320 = arith.constant 1 : i32
        %swap3A_321 = arith.constant 0 : i32
        %swap3A_322 = arith.constant 1 : i32
        %swap3A_323 = arith.index_cast %swap3A_320 : i32 to index
        %swap3A_324 = arith.index_cast %swap3A_321 : i32 to index
        %swap3A_325 = arith.index_cast %swap3A_322 : i32 to index
        %swap3A_326 = arith.index_cast %multiple_of3A : i32 to index
        %swap3A_327 = tpu.vector_load %arg7[%swap3A_323, %swap3A_324, %swap3A_325, %swap3A_326] {strides = array<i32>} : memref<2x4x8x1024xf32, #tpu.memory_space<vmem>>, vector<1x1x1x16xf32>,
        %swap3A_328 = vector.shape_cast %swap3A_327 : vector<1x1x1x16xf32> to vector<16xf32>
        %swap3A_329 = vector.shape_cast %add3A_232 : vector<16xf32> to vector<1x1x1x16xf32>
        tpu.vector_store %arg7[%swap3A_323, %swap3A_324, %swap3A_325, %swap3A_326], %swap3A_329 {add = true, strides = array<i32>} : memref<2x4x8x1024xf32, #tpu.memory_space<vmem>>, vector<1x1x1x16xf32>,
        %swap3A_330 = arith.constant 1 : i32
        %swap3A_331 = arith.constant 1 : i32
        %swap3A_332 = arith.constant 1 : i32
        %swap3A_333 = arith.index_cast %swap3A_330 : i32 to index
        %swap3A_334 = arith.index_cast %swap3A_331 : i32 to index
        %swap3A_335 = arith.index_cast %swap3A_332 : i32 to index
        %swap3A_336 = arith.index_cast %multiple_of3A : i32 to index
        %swap3A_337 = tpu.vector_load %arg7[%swap3A_333, %swap3A_334, %swap3A_335, %swap3A_336] {strides = array<i32>} : memref<2x4x8x1024xf32, #tpu.memory_space<vmem>>, vector<1x1x1x16xf32>,
        %swap3A_338 = vector.shape_cast %swap3A_337 : vector<1x1x1x16xf32> to vector<16xf32>
        %swap3A_339 = vector.shape_cast %add3A_232 : vector<16xf32> to vector<1x1x1x16xf32>
        tpu.vector_store %arg7[%swap3A_333, %swap3A_334, %swap3A_335, %swap3A_336], %swap3A_339 {add = true, strides = array<i32>} : memref<2x4x8x1024xf32, #tpu.memory_space<vmem>>, vector<1x1x1x16xf32>,
        %swap3A_340 = arith.constant 1 : i32
        %swap3A_341 = arith.constant 2 : i32
        %swap3A_342 = arith.constant 1 : i32
        %swap3A_343 = arith.index_cast %swap3A_340 : i32 to index
        %swap3A_344 = arith.index_cast %swap3A_341 : i32 to index
        %swap3A_345 = arith.index_cast %swap3A_342 : i32 to index
        %swap3A_346 = arith.index_cast %multiple_of3A : i32 to index
        %swap3A_347 = tpu.vector_load %arg7[%swap3A_343, %swap3A_344, %swap3A_345, %swap3A_346] {strides = array<i32>} : memref<2x4x8x1024xf32, #tpu.memory_space<vmem>>, vector<1x1x1x16xf32>,
        %swap3A_348 = vector.shape_cast %swap3A_347 : vector<1x1x1x16xf32> to vector<16xf32>
        %swap3A_349 = vector.shape_cast %add3A_232 : vector<16xf32> to vector<1x1x1x16xf32>
        tpu.vector_store %arg7[%swap3A_343, %swap3A_344, %swap3A_345, %swap3A_346], %swap3A_349 {add = true, strides = array<i32>} : memref<2x4x8x1024xf32, #tpu.memory_space<vmem>>, vector<1x1x1x16xf32>,
        %swap3A_350 = arith.constant 1 : i32
        %swap3A_351 = arith.constant 3 : i32
        %swap3A_352 = arith.constant 1 : i32
        %swap3A_353 = arith.index_cast %swap3A_350 : i32 to index
        %swap3A_354 = arith.index_cast %swap3A_351 : i32 to index
        %swap3A_355 = arith.index_cast %swap3A_352 : i32 to index
        %swap3A_356 = arith.index_cast %multiple_of3A : i32 to index
        %swap3A_357 = tpu.vector_load %arg7[%swap3A_353, %swap3A_354, %swap3A_355, %swap3A_356] {strides = array<i32>} : memref<2x4x8x1024xf32, #tpu.memory_space<vmem>>, vector<1x1x1x16xf32>,
        %swap3A_358 = vector.shape_cast %swap3A_357 : vector<1x1x1x16xf32> to vector<16xf32>
        %swap3A_359 = vector.shape_cast %add3A_232 : vector<16xf32> to vector<1x1x1x16xf32>
        tpu.vector_store %arg7[%swap3A_353, %swap3A_354, %swap3A_355, %swap3A_356], %swap3A_359 {add = true, strides = array<i32>} : memref<2x4x8x1024xf32, #tpu.memory_space<vmem>>, vector<1x1x1x16xf32>,
        %swap3A_360 = arith.constant 1 : i32
        %swap3A_361 = arith.constant 0 : i32
        %swap3A_362 = arith.constant 2 : i32
        %swap3A_363 = arith.index_cast %swap3A_360 : i32 to index
        %swap3A_364 = arith.index_cast %swap3A_361 : i32 to index
        %swap3A_365 = arith.index_cast %swap3A_362 : i32 to index
        %swap3A_366 = arith.index_cast %multiple_of3A : i32 to index
        %swap3A_367 = tpu.vector_load %arg7[%swap3A_363, %swap3A_364, %swap3A_365, %swap3A_366] {strides = array<i32>} : memref<2x4x8x1024xf32, #tpu.memory_space<vmem>>, vector<1x1x1x16xf32>,
        %swap3A_368 = vector.shape_cast %swap3A_367 : vector<1x1x1x16xf32> to vector<16xf32>
        %swap3A_369 = vector.shape_cast %add3A_240 : vector<16xf32> to vector<1x1x1x16xf32>
        tpu.vector_store %arg7[%swap3A_363, %swap3A_364, %swap3A_365, %swap3A_366], %swap3A_369 {add = true, strides = array<i32>} : memref<2x4x8x1024xf32, #tpu.memory_space<vmem>>, vector<1x1x1x16xf32>,
        %swap3A_370 = arith.constant 1 : i32
        %swap3A_371 = arith.constant 1 : i32
        %swap3A_372 = arith.constant 2 : i32
        %swap3A_373 = arith.index_cast %swap3A_370 : i32 to index
        %swap3A_374 = arith.index_cast %swap3A_371 : i32 to index
        %swap3A_375 = arith.index_cast %swap3A_372 : i32 to index
        %swap3A_376 = arith.index_cast %multiple_of3A : i32 to index
        %swap3A_377 = tpu.vector_load %arg7[%swap3A_373, %swap3A_374, %swap3A_375, %swap3A_376] {strides = array<i32>} : memref<2x4x8x1024xf32, #tpu.memory_space<vmem>>, vector<1x1x1x16xf32>,
        %swap3A_378 = vector.shape_cast %swap3A_377 : vector<1x1x1x16xf32> to vector<16xf32>
        %swap3A_379 = vector.shape_cast %add3A_240 : vector<16xf32> to vector<1x1x1x16xf32>
        tpu.vector_store %arg7[%swap3A_373, %swap3A_374, %swap3A_375, %swap3A_376], %swap3A_379 {add = true, strides = array<i32>} : memref<2x4x8x1024xf32, #tpu.memory_space<vmem>>, vector<1x1x1x16xf32>,
        %swap3A_380 = arith.constant 1 : i32
        %swap3A_381 = arith.constant 2 : i32
        %swap3A_382 = arith.constant 2 : i32
        %swap3A_383 = arith.index_cast %swap3A_380 : i32 to index
        %swap3A_384 = arith.index_cast %swap3A_381 : i32 to index
        %swap3A_385 = arith.index_cast %swap3A_382 : i32 to index
        %swap3A_386 = arith.index_cast %multiple_of3A : i32 to index
        %swap3A_387 = tpu.vector_load %arg7[%swap3A_383, %swap3A_384, %swap3A_385, %swap3A_386] {strides = array<i32>} : memref<2x4x8x1024xf32, #tpu.memory_space<vmem>>, vector<1x1x1x16xf32>,
        %swap3A_388 = vector.shape_cast %swap3A_387 : vector<1x1x1x16xf32> to vector<16xf32>
        %swap3A_389 = vector.shape_cast %add3A_240 : vector<16xf32> to vector<1x1x1x16xf32>
        tpu.vector_store %arg7[%swap3A_383, %swap3A_384, %swap3A_385, %swap3A_386], %swap3A_389 {add = true, strides = array<i32>} : memref<2x4x8x1024xf32, #tpu.memory_space<vmem>>, vector<1x1x1x16xf32>,
        %swap3A_390 = arith.constant 1 : i32
        %swap3A_391 = arith.constant 3 : i32
        %swap3A_392 = arith.constant 2 : i32
        %swap3A_393 = arith.index_cast %swap3A_390 : i32 to index
        %swap3A_394 = arith.index_cast %swap3A_391 : i32 to index
        %swap3A_395 = arith.index_cast %swap3A_392 : i32 to index
        %swap3A_396 = arith.index_cast %multiple_of3A : i32 to index
        %swap3A_397 = tpu.vector_load %arg7[%swap3A_393, %swap3A_394, %swap3A_395, %swap3A_396] {strides = array<i32>} : memref<2x4x8x1024xf32, #tpu.memory_space<vmem>>, vector<1x1x1x16xf32>,
        %swap3A_398 = vector.shape_cast %swap3A_397 : vector<1x1x1x16xf32> to vector<16xf32>
        %swap3A_399 = vector.shape_cast %add3A_240 : vector<16xf32> to vector<1x1x1x16xf32>
        tpu.vector_store %arg7[%swap3A_393, %swap3A_394, %swap3A_395, %swap3A_396], %swap3A_399 {add = true, strides = array<i32>} : memref<2x4x8x1024xf32, #tpu.memory_space<vmem>>, vector<1x1x1x16xf32>,
        %swap3A_400 = arith.constant 1 : i32
        %swap3A_401 = arith.constant 0 : i32
        %swap3A_402 = arith.constant 3 : i32
        %swap3A_403 = arith.index_cast %swap3A_400 : i32 to index
        %swap3A_404 = arith.index_cast %swap3A_401 : i32 to index
        %swap3A_405 = arith.index_cast %swap3A_402 : i32 to index
        %swap3A_406 = arith.index_cast %multiple_of3A : i32 to index
        %swap3A_407 = tpu.vector_load %arg7[%swap3A_403, %swap3A_404, %swap3A_405, %swap3A_406] {strides = array<i32>} : memref<2x4x8x1024xf32, #tpu.memory_space<vmem>>, vector<1x1x1x16xf32>,
        %swap3A_408 = vector.shape_cast %swap3A_407 : vector<1x1x1x16xf32> to vector<16xf32>
        %swap3A_409 = vector.shape_cast %add3A_248 : vector<16xf32> to vector<1x1x1x16xf32>
        tpu.vector_store %arg7[%swap3A_403, %swap3A_404, %swap3A_405, %swap3A_406], %swap3A_409 {add = true, strides = array<i32>} : memref<2x4x8x1024xf32, #tpu.memory_space<vmem>>, vector<1x1x1x16xf32>,
        %swap3A_410 = arith.constant 1 : i32
        %swap3A_411 = arith.constant 1 : i32
        %swap3A_412 = arith.constant 3 : i32
        %swap3A_413 = arith.index_cast %swap3A_410 : i32 to index
        %swap3A_414 = arith.index_cast %swap3A_411 : i32 to index
        %swap3A_415 = arith.index_cast %swap3A_412 : i32 to index
        %swap3A_416 = arith.index_cast %multiple_of3A : i32 to index
        %swap3A_417 = tpu.vector_load %arg7[%swap3A_413, %swap3A_414, %swap3A_415, %swap3A_416] {strides = array<i32>} : memref<2x4x8x1024xf32, #tpu.memory_space<vmem>>, vector<1x1x1x16xf32>,
        %swap3A_418 = vector.shape_cast %swap3A_417 : vector<1x1x1x16xf32> to vector<16xf32>
        %swap3A_419 = vector.shape_cast %add3A_248 : vector<16xf32> to vector<1x1x1x16xf32>
        tpu.vector_store %arg7[%swap3A_413, %swap3A_414, %swap3A_415, %swap3A_416], %swap3A_419 {add = true, strides = array<i32>} : memref<2x4x8x1024xf32, #tpu.memory_space<vmem>>, vector<1x1x1x16xf32>,
        %swap3A_420 = arith.constant 1 : i32
        %swap3A_421 = arith.constant 2 : i32
        %swap3A_422 = arith.constant 3 : i32
        %swap3A_423 = arith.index_cast %swap3A_420 : i32 to index
        %swap3A_424 = arith.index_cast %swap3A_421 : i32 to index
        %swap3A_425 = arith.index_cast %swap3A_422 : i32 to index
        %swap3A_426 = arith.index_cast %multiple_of3A : i32 to index
        %swap3A_427 = tpu.vector_load %arg7[%swap3A_423, %swap3A_424, %swap3A_425, %swap3A_426] {strides = array<i32>} : memref<2x4x8x1024xf32, #tpu.memory_space<vmem>>, vector<1x1x1x16xf32>,
        %swap3A_428 = vector.shape_cast %swap3A_427 : vector<1x1x1x16xf32> to vector<16xf32>
        %swap3A_429 = vector.shape_cast %add3A_248 : vector<16xf32> to vector<1x1x1x16xf32>
        tpu.vector_store %arg7[%swap3A_423, %swap3A_424, %swap3A_425, %swap3A_426], %swap3A_429 {add = true, strides = array<i32>} : memref<2x4x8x1024xf32, #tpu.memory_space<vmem>>, vector<1x1x1x16xf32>,
        %swap3A_430 = arith.constant 1 : i32
        %swap3A_431 = arith.constant 3 : i32
        %swap3A_432 = arith.constant 3 : i32
        %swap3A_433 = arith.index_cast %swap3A_430 : i32 to index
        %swap3A_434 = arith.index_cast %swap3A_431 : i32 to index
        %swap3A_435 = arith.index_cast %swap3A_432 : i32 to index
        %swap3A_436 = arith.index_cast %multiple_of3A : i32 to index
        %swap3A_437 = tpu.vector_load %arg7[%swap3A_433, %swap3A_434, %swap3A_435, %swap3A_436] {strides = array<i32>} : memref<2x4x8x1024xf32, #tpu.memory_space<vmem>>, vector<1x1x1x16xf32>,
        %swap3A_438 = vector.shape_cast %swap3A_437 : vector<1x1x1x16xf32> to vector<16xf32>
        %swap3A_439 = vector.shape_cast %add3A_248 : vector<16xf32> to vector<1x1x1x16xf32>
        tpu.vector_store %arg7[%swap3A_433, %swap3A_434, %swap3A_435, %swap3A_436], %swap3A_439 {add = true, strides = array<i32>} : memref<2x4x8x1024xf32, #tpu.memory_space<vmem>>, vector<1x1x1x16xf32>,
        %swap3A_440 = arith.constant 1 : i32
        %swap3A_441 = arith.constant 0 : i32
        %swap3A_442 = arith.constant 4 : i32
        %swap3A_443 = arith.index_cast %swap3A_440 : i32 to index
        %swap3A_444 = arith.index_cast %swap3A_441 : i32 to index
        %swap3A_445 = arith.index_cast %swap3A_442 : i32 to index
        %swap3A_446 = arith.index_cast %multiple_of3A : i32 to index
        %swap3A_447 = tpu.vector_load %arg7[%swap3A_443, %swap3A_444, %swap3A_445, %swap3A_446] {strides = array<i32>} : memref<2x4x8x1024xf32, #tpu.memory_space<vmem>>, vector<1x1x1x16xf32>,
        %swap3A_448 = vector.shape_cast %swap3A_447 : vector<1x1x1x16xf32> to vector<16xf32>
        %swap3A_449 = vector.shape_cast %add3A_256 : vector<16xf32> to vector<1x1x1x16xf32>
        tpu.vector_store %arg7[%swap3A_443, %swap3A_444, %swap3A_445, %swap3A_446], %swap3A_449 {add = true, strides = array<i32>} : memref<2x4x8x1024xf32, #tpu.memory_space<vmem>>, vector<1x1x1x16xf32>,
        %swap3A_450 = arith.constant 1 : i32
        %swap3A_451 = arith.constant 1 : i32
        %swap3A_452 = arith.constant 4 : i32
        %swap3A_453 = arith.index_cast %swap3A_450 : i32 to index
        %swap3A_454 = arith.index_cast %swap3A_451 : i32 to index
        %swap3A_455 = arith.index_cast %swap3A_452 : i32 to index
        %swap3A_456 = arith.index_cast %multiple_of3A : i32 to index
        %swap3A_457 = tpu.vector_load %arg7[%swap3A_453, %swap3A_454, %swap3A_455, %swap3A_456] {strides = array<i32>} : memref<2x4x8x1024xf32, #tpu.memory_space<vmem>>, vector<1x1x1x16xf32>,
        %swap3A_458 = vector.shape_cast %swap3A_457 : vector<1x1x1x16xf32> to vector<16xf32>
        %swap3A_459 = vector.shape_cast %add3A_256 : vector<16xf32> to vector<1x1x1x16xf32>
        tpu.vector_store %arg7[%swap3A_453, %swap3A_454, %swap3A_455, %swap3A_456], %swap3A_459 {add = true, strides = array<i32>} : memref<2x4x8x1024xf32, #tpu.memory_space<vmem>>, vector<1x1x1x16xf32>,
        %swap3A_460 = arith.constant 1 : i32
        %swap3A_461 = arith.constant 2 : i32
        %swap3A_462 = arith.constant 4 : i32
        %swap3A_463 = arith.index_cast %swap3A_460 : i32 to index
        %swap3A_464 = arith.index_cast %swap3A_461 : i32 to index
        %swap3A_465 = arith.index_cast %swap3A_462 : i32 to index
        %swap3A_466 = arith.index_cast %multiple_of3A : i32 to index
        %swap3A_467 = tpu.vector_load %arg7[%swap3A_463, %swap3A_464, %swap3A_465, %swap3A_466] {strides = array<i32>} : memref<2x4x8x1024xf32, #tpu.memory_space<vmem>>, vector<1x1x1x16xf32>,
        %swap3A_468 = vector.shape_cast %swap3A_467 : vector<1x1x1x16xf32> to vector<16xf32>
        %swap3A_469 = vector.shape_cast %add3A_256 : vector<16xf32> to vector<1x1x1x16xf32>
        tpu.vector_store %arg7[%swap3A_463, %swap3A_464, %swap3A_465, %swap3A_466], %swap3A_469 {add = true, strides = array<i32>} : memref<2x4x8x1024xf32, #tpu.memory_space<vmem>>, vector<1x1x1x16xf32>,
        %swap3A_470 = arith.constant 1 : i32
        %swap3A_471 = arith.constant 3 : i32
        %swap3A_472 = arith.constant 4 : i32
        %swap3A_473 = arith.index_cast %swap3A_470 : i32 to index
        %swap3A_474 = arith.index_cast %swap3A_471 : i32 to index
        %swap3A_475 = arith.index_cast %swap3A_472 : i32 to index
        %swap3A_476 = arith.index_cast %multiple_of3A : i32 to index
        %swap3A_477 = tpu.vector_load %arg7[%swap3A_473, %swap3A_474, %swap3A_475, %swap3A_476] {strides = array<i32>} : memref<2x4x8x1024xf32, #tpu.memory_space<vmem>>, vector<1x1x1x16xf32>,
        %swap3A_478 = vector.shape_cast %swap3A_477 : vector<1x1x1x16xf32> to vector<16xf32>
        %swap3A_479 = vector.shape_cast %add3A_256 : vector<16xf32> to vector<1x1x1x16xf32>
        tpu.vector_store %arg7[%swap3A_473, %swap3A_474, %swap3A_475, %swap3A_476], %swap3A_479 {add = true, strides = array<i32>} : memref<2x4x8x1024xf32, #tpu.memory_space<vmem>>, vector<1x1x1x16xf32>,
        %swap3A_480 = arith.constant 1 : i32
        %swap3A_481 = arith.constant 0 : i32
        %swap3A_482 = arith.constant 5 : i32
        %swap3A_483 = arith.index_cast %swap3A_480 : i32 to index
        %swap3A_484 = arith.index_cast %swap3A_481 : i32 to index
        %swap3A_485 = arith.index_cast %swap3A_482 : i32 to index
        %swap3A_486 = arith.index_cast %multiple_of3A : i32 to index
        %swap3A_487 = tpu.vector_load %arg7[%swap3A_483, %swap3A_484, %swap3A_485, %swap3A_486] {strides = array<i32>} : memref<2x4x8x1024xf32, #tpu.memory_space<vmem>>, vector<1x1x1x16xf32>,
        %swap3A_488 = vector.shape_cast %swap3A_487 : vector<1x1x1x16xf32> to vector<16xf32>
        %swap3A_489 = vector.shape_cast %add3A_264 : vector<16xf32> to vector<1x1x1x16xf32>
        tpu.vector_store %arg7[%swap3A_483, %swap3A_484, %swap3A_485, %swap3A_486], %swap3A_489 {add = true, strides = array<i32>} : memref<2x4x8x1024xf32, #tpu.memory_space<vmem>>, vector<1x1x1x16xf32>,
        %swap3A_490 = arith.constant 1 : i32
        %swap3A_491 = arith.constant 1 : i32
        %swap3A_492 = arith.constant 5 : i32
        %swap3A_493 = arith.index_cast %swap3A_490 : i32 to index
        %swap3A_494 = arith.index_cast %swap3A_491 : i32 to index
        %swap3A_495 = arith.index_cast %swap3A_492 : i32 to index
        %swap3A_496 = arith.index_cast %multiple_of3A : i32 to index
        %swap3A_497 = tpu.vector_load %arg7[%swap3A_493, %swap3A_494, %swap3A_495, %swap3A_496] {strides = array<i32>} : memref<2x4x8x1024xf32, #tpu.memory_space<vmem>>, vector<1x1x1x16xf32>,
        %swap3A_498 = vector.shape_cast %swap3A_497 : vector<1x1x1x16xf32> to vector<16xf32>
        %swap3A_499 = vector.shape_cast %add3A_264 : vector<16xf32> to vector<1x1x1x16xf32>
        tpu.vector_store %arg7[%swap3A_493, %swap3A_494, %swap3A_495, %swap3A_496], %swap3A_499 {add = true, strides = array<i32>} : memref<2x4x8x1024xf32, #tpu.memory_space<vmem>>, vector<1x1x1x16xf32>,
        %swap3A_500 = arith.constant 1 : i32
        %swap3A_501 = arith.constant 2 : i32
        %swap3A_502 = arith.constant 5 : i32
        %swap3A_503 = arith.index_cast %swap3A_500 : i32 to index
        %swap3A_504 = arith.index_cast %swap3A_501 : i32 to index
        %swap3A_505 = arith.index_cast %swap3A_502 : i32 to index
        %swap3A_506 = arith.index_cast %multiple_of3A : i32 to index
        %swap3A_507 = tpu.vector_load %arg7[%swap3A_503, %swap3A_504, %swap3A_505, %swap3A_506] {strides = array<i32>} : memref<2x4x8x1024xf32, #tpu.memory_space<vmem>>, vector<1x1x1x16xf32>,
        %swap3A_508 = vector.shape_cast %swap3A_507 : vector<1x1x1x16xf32> to vector<16xf32>
        %swap3A_509 = vector.shape_cast %add3A_264 : vector<16xf32> to vector<1x1x1x16xf32>
        tpu.vector_store %arg7[%swap3A_503, %swap3A_504, %swap3A_505, %swap3A_506], %swap3A_509 {add = true, strides = array<i32>} : memref<2x4x8x1024xf32, #tpu.memory_space<vmem>>, vector<1x1x1x16xf32>,
        %swap3A_510 = arith.constant 1 : i32
        %swap3A_511 = arith.constant 3 : i32
        %swap3A_512 = arith.constant 5 : i32
        %swap3A_513 = arith.index_cast %swap3A_510 : i32 to index
        %swap3A_514 = arith.index_cast %swap3A_511 : i32 to index
        %swap3A_515 = arith.index_cast %swap3A_512 : i32 to index
        %swap3A_516 = arith.index_cast %multiple_of3A : i32 to index
        %swap3A_517 = tpu.vector_load %arg7[%swap3A_513, %swap3A_514, %swap3A_515, %swap3A_516] {strides = array<i32>} : memref<2x4x8x1024xf32, #tpu.memory_space<vmem>>, vector<1x1x1x16xf32>,
        %swap3A_518 = vector.shape_cast %swap3A_517 : vector<1x1x1x16xf32> to vector<16xf32>
        %swap3A_519 = vector.shape_cast %add3A_264 : vector<16xf32> to vector<1x1x1x16xf32>
        tpu.vector_store %arg7[%swap3A_513, %swap3A_514, %swap3A_515, %swap3A_516], %swap3A_519 {add = true, strides = array<i32>} : memref<2x4x8x1024xf32, #tpu.memory_space<vmem>>, vector<1x1x1x16xf32>,
        %swap3A_520 = arith.constant 1 : i32
        %swap3A_521 = arith.constant 0 : i32
        %swap3A_522 = arith.constant 6 : i32
        %swap3A_523 = arith.index_cast %swap3A_520 : i32 to index
        %swap3A_524 = arith.index_cast %swap3A_521 : i32 to index
        %swap3A_525 = arith.index_cast %swap3A_522 : i32 to index
        %swap3A_526 = arith.index_cast %multiple_of3A : i32 to index
        %swap3A_527 = tpu.vector_load %arg7[%swap3A_523, %swap3A_524, %swap3A_525, %swap3A_526] {strides = array<i32>} : memref<2x4x8x1024xf32, #tpu.memory_space<vmem>>, vector<1x1x1x16xf32>,
        %swap3A_528 = vector.shape_cast %swap3A_527 : vector<1x1x1x16xf32> to vector<16xf32>
        %swap3A_529 = vector.shape_cast %add3A_272 : vector<16xf32> to vector<1x1x1x16xf32>
        tpu.vector_store %arg7[%swap3A_523, %swap3A_524, %swap3A_525, %swap3A_526], %swap3A_529 {add = true, strides = array<i32>} : memref<2x4x8x1024xf32, #tpu.memory_space<vmem>>, vector<1x1x1x16xf32>,
        %swap3A_530 = arith.constant 1 : i32
        %swap3A_531 = arith.constant 1 : i32
        %swap3A_532 = arith.constant 6 : i32
        %swap3A_533 = arith.index_cast %swap3A_530 : i32 to index
        %swap3A_534 = arith.index_cast %swap3A_531 : i32 to index
        %swap3A_535 = arith.index_cast %swap3A_532 : i32 to index
        %swap3A_536 = arith.index_cast %multiple_of3A : i32 to index
        %swap3A_537 = tpu.vector_load %arg7[%swap3A_533, %swap3A_534, %swap3A_535, %swap3A_536] {strides = array<i32>} : memref<2x4x8x1024xf32, #tpu.memory_space<vmem>>, vector<1x1x1x16xf32>,
        %swap3A_538 = vector.shape_cast %swap3A_537 : vector<1x1x1x16xf32> to vector<16xf32>
        %swap3A_539 = vector.shape_cast %add3A_272 : vector<16xf32> to vector<1x1x1x16xf32>
        tpu.vector_store %arg7[%swap3A_533, %swap3A_534, %swap3A_535, %swap3A_536], %swap3A_539 {add = true, strides = array<i32>} : memref<2x4x8x1024xf32, #tpu.memory_space<vmem>>, vector<1x1x1x16xf32>,
        %swap3A_540 = arith.constant 1 : i32
        %swap3A_541 = arith.constant 2 : i32
        %swap3A_542 = arith.constant 6 : i32
        %swap3A_543 = arith.index_cast %swap3A_540 : i32 to index
        %swap3A_544 = arith.index_cast %swap3A_541 : i32 to index
        %swap3A_545 = arith.index_cast %swap3A_542 : i32 to index
        %swap3A_546 = arith.index_cast %multiple_of3A : i32 to index
        %swap3A_547 = tpu.vector_load %arg7[%swap3A_543, %swap3A_544, %swap3A_545, %swap3A_546] {strides = array<i32>} : memref<2x4x8x1024xf32, #tpu.memory_space<vmem>>, vector<1x1x1x16xf32>,
        %swap3A_548 = vector.shape_cast %swap3A_547 : vector<1x1x1x16xf32> to vector<16xf32>
        %swap3A_549 = vector.shape_cast %add3A_272 : vector<16xf32> to vector<1x1x1x16xf32>
        tpu.vector_store %arg7[%swap3A_543, %swap3A_544, %swap3A_545, %swap3A_546], %swap3A_549 {add = true, strides = array<i32>} : memref<2x4x8x1024xf32, #tpu.memory_space<vmem>>, vector<1x1x1x16xf32>,
        %swap3A_550 = arith.constant 1 : i32
        %swap3A_551 = arith.constant 3 : i32
        %swap3A_552 = arith.constant 6 : i32
        %swap3A_553 = arith.index_cast %swap3A_550 : i32 to index
        %swap3A_554 = arith.index_cast %swap3A_551 : i32 to index
        %swap3A_555 = arith.index_cast %swap3A_552 : i32 to index
        %swap3A_556 = arith.index_cast %multiple_of3A : i32 to index
        %swap3A_557 = tpu.vector_load %arg7[%swap3A_553, %swap3A_554, %swap3A_555, %swap3A_556] {strides = array<i32>} : memref<2x4x8x1024xf32, #tpu.memory_space<vmem>>, vector<1x1x1x16xf32>,
        %swap3A_558 = vector.shape_cast %swap3A_557 : vector<1x1x1x16xf32> to vector<16xf32>
        %swap3A_559 = vector.shape_cast %add3A_272 : vector<16xf32> to vector<1x1x1x16xf32>
        tpu.vector_store %arg7[%swap3A_553, %swap3A_554, %swap3A_555, %swap3A_556], %swap3A_559 {add = true, strides = array<i32>} : memref<2x4x8x1024xf32, #tpu.memory_space<vmem>>, vector<1x1x1x16xf32>,
        %swap3A_560 = arith.constant 1 : i32
        %swap3A_561 = arith.constant 0 : i32
        %swap3A_562 = arith.constant 7 : i32
        %swap3A_563 = arith.index_cast %swap3A_560 : i32 to index
        %swap3A_564 = arith.index_cast %swap3A_561 : i32 to index
        %swap3A_565 = arith.index_cast %swap3A_562 : i32 to index
        %swap3A_566 = arith.index_cast %multiple_of3A : i32 to index
        %swap3A_567 = tpu.vector_load %arg7[%swap3A_563, %swap3A_564, %swap3A_565, %swap3A_566] {strides = array<i32>} : memref<2x4x8x1024xf32, #tpu.memory_space<vmem>>, vector<1x1x1x16xf32>,
        %swap3A_568 = vector.shape_cast %swap3A_567 : vector<1x1x1x16xf32> to vector<16xf32>
        %swap3A_569 = vector.shape_cast %add3A_280 : vector<16xf32> to vector<1x1x1x16xf32>
        tpu.vector_store %arg7[%swap3A_563, %swap3A_564, %swap3A_565, %swap3A_566], %swap3A_569 {add = true, strides = array<i32>} : memref<2x4x8x1024xf32, #tpu.memory_space<vmem>>, vector<1x1x1x16xf32>,
        %swap3A_570 = arith.constant 1 : i32
        %swap3A_571 = arith.constant 1 : i32
        %swap3A_572 = arith.constant 7 : i32
        %swap3A_573 = arith.index_cast %swap3A_570 : i32 to index
        %swap3A_574 = arith.index_cast %swap3A_571 : i32 to index
        %swap3A_575 = arith.index_cast %swap3A_572 : i32 to index
        %swap3A_576 = arith.index_cast %multiple_of3A : i32 to index
        %swap3A_577 = tpu.vector_load %arg7[%swap3A_573, %swap3A_574, %swap3A_575, %swap3A_576] {strides = array<i32>} : memref<2x4x8x1024xf32, #tpu.memory_space<vmem>>, vector<1x1x1x16xf32>,
        %swap3A_578 = vector.shape_cast %swap3A_577 : vector<1x1x1x16xf32> to vector<16xf32>
        %swap3A_579 = vector.shape_cast %add3A_280 : vector<16xf32> to vector<1x1x1x16xf32>
        tpu.vector_store %arg7[%swap3A_573, %swap3A_574, %swap3A_575, %swap3A_576], %swap3A_579 {add = true, strides = array<i32>} : memref<2x4x8x1024xf32, #tpu.memory_space<vmem>>, vector<1x1x1x16xf32>,
        %swap3A_580 = arith.constant 1 : i32
        %swap3A_581 = arith.constant 2 : i32
        %swap3A_582 = arith.constant 7 : i32
        %swap3A_583 = arith.index_cast %swap3A_580 : i32 to index
        %swap3A_584 = arith.index_cast %swap3A_581 : i32 to index
        %swap3A_585 = arith.index_cast %swap3A_582 : i32 to index
        %swap3A_586 = arith.index_cast %multiple_of3A : i32 to index
        %swap3A_587 = tpu.vector_load %arg7[%swap3A_583, %swap3A_584, %swap3A_585, %swap3A_586] {strides = array<i32>} : memref<2x4x8x1024xf32, #tpu.memory_space<vmem>>, vector<1x1x1x16xf32>,
        %swap3A_588 = vector.shape_cast %swap3A_587 : vector<1x1x1x16xf32> to vector<16xf32>
        %swap3A_589 = vector.shape_cast %add3A_280 : vector<16xf32> to vector<1x1x1x16xf32>
        tpu.vector_store %arg7[%swap3A_583, %swap3A_584, %swap3A_585, %swap3A_586], %swap3A_589 {add = true, strides = array<i32>} : memref<2x4x8x1024xf32, #tpu.memory_space<vmem>>, vector<1x1x1x16xf32>,
        %swap3A_590 = arith.constant 1 : i32
        %swap3A_591 = arith.constant 3 : i32
        %swap3A_592 = arith.constant 7 : i32
        %swap3A_593 = arith.index_cast %swap3A_590 : i32 to index
        %swap3A_594 = arith.index_cast %swap3A_591 : i32 to index
        %swap3A_595 = arith.index_cast %swap3A_592 : i32 to index
        %swap3A_596 = arith.index_cast %multiple_of3A : i32 to index
        %swap3A_597 = tpu.vector_load %arg7[%swap3A_593, %swap3A_594, %swap3A_595, %swap3A_596] {strides = array<i32>} : memref<2x4x8x1024xf32, #tpu.memory_space<vmem>>, vector<1x1x1x16xf32>,
        %swap3A_598 = vector.shape_cast %swap3A_597 : vector<1x1x1x16xf32> to vector<16xf32>
        %swap3A_599 = vector.shape_cast %add3A_280 : vector<16xf32> to vector<1x1x1x16xf32>
        tpu.vector_store %arg7[%swap3A_593, %swap3A_594, %swap3A_595, %swap3A_596], %swap3A_599 {add = true, strides = array<i32>} : memref<2x4x8x1024xf32, #tpu.memory_space<vmem>>, vector<1x1x1x16xf32>,
      }
      %scan3A_189 = arith.constant 64 : i32
      %mul3A_190 = arith.constant 8 : i32
      %mul3A_191 = arith.muli %add3A_138, %mul3A_190 : i32
      %add3A_192 = arith.addi %mul3A_2, %mul3A_191 : i32
      %dma_start3A_193 = arith.constant 1 : i32
      %dma_start3A_194 = arith.constant 0 : i32
      %dma_start3A_195 = arith.constant 0 : i32
      %dma_start3A_196 = arith.constant 0 : i32
      %dma_start3A_197 = tpu.memref_slice %arg7[%dma_start3A_193, %dma_start3A_194, %dma_start3A_195, %dma_start3A_196] : memref<2x4x8x1024xf32, #tpu.memory_space<vmem>> -> memref<1x4x8x1024xf32, #tpu.memory_space<vmem>>
      %dma_start3A_198 = tpu.memref_squeeze %dma_start3A_197 : memref<1x4x8x1024xf32, #tpu.memory_space<vmem>> -> memref<4x8x1024xf32, #tpu.memory_space<vmem>>
      %dma_start3A_199 = arith.constant 0 : i32
      %dma_start3A_200 = arith.constant 0 : i32
      %dma_start3A_201 = tpu.memref_slice %arg6[%dma_start3A_199, %add3A_192, %dma_start3A_200] : memref<4x4096x1024xf32, #tpu.memory_space<hbm>> -> memref<4x8x1024xf32, #tpu.memory_space<hbm>>
      %dma_start3A_202 = arith.constant 0 : i32
      %dma_start3A_203 = arith.constant 0 : i32
      %dma_start3A_204 = tpu.memref_slice %arg6[%dma_start3A_202, %add3A_192, %dma_start3A_203] : memref<4x4096x1024xf32, #tpu.memory_space<hbm>> -> memref<4x8x1024xf32, #tpu.memory_space<hbm>>
      %dma_start3A_205 = arith.constant 0 : i32
      %dma_start3A_206 = arith.constant 0 : i32
      %dma_start3A_207 = arith.constant 0 : i32
      %dma_start3A_208 = tpu.memref_slice %arg7[%dma_start3A_193, %dma_start3A_205, %dma_start3A_206, %dma_start3A_207] : memref<2x4x8x1024xf32, #tpu.memory_space<vmem>> -> memref<1x4x8x1024xf32, #tpu.memory_space<vmem>>
      %dma_start3A_209 = tpu.memref_squeeze %dma_start3A_208 : memref<1x4x8x1024xf32, #tpu.memory_space<vmem>> -> memref<4x8x1024xf32, #tpu.memory_space<vmem>>
      tpu.enqueue_dma source(%dma_start3A_209 : memref<4x8x1024xf32, #tpu.memory_space<vmem>>) target(%dma_start3A_204 : memref<4x8x1024xf32, #tpu.memory_space<hbm>>) target_semaphore(%arg14 : memref<!tpu.dma_semaphore, #tpu.memory_space<semaphore_mem>>)
    }
    %scan3A_43 = arith.constant 8 : i32
    %add3A_44 = arith.constant 120 : i32
    %add3A_45 = arith.addi %mul3A_2, %add3A_44 : i32
    %dma_wait3A_46 = arith.constant 1 : i32
    %dma_wait3A_47 = arith.constant 0 : i32
    %dma_wait3A_48 = arith.constant 0 : i32
    %dma_wait3A_49 = arith.constant 0 : i32
    %dma_wait3A_50 = tpu.memref_slice %arg7[%dma_wait3A_46, %dma_wait3A_47, %dma_wait3A_48, %dma_wait3A_49] : memref<2x4x8x1024xf32, #tpu.memory_space<vmem>> -> memref<1x4x8x1024xf32, #tpu.memory_space<vmem>>
    %dma_wait3A_51 = tpu.memref_squeeze %dma_wait3A_50 : memref<1x4x8x1024xf32, #tpu.memory_space<vmem>> -> memref<4x8x1024xf32, #tpu.memory_space<vmem>>
    %dma_wait3A_52 = arith.constant 0 : i32
    %dma_wait3A_53 = arith.constant 0 : i32
    %dma_wait3A_54 = tpu.memref_slice %arg6[%dma_wait3A_52, %add3A_45, %dma_wait3A_53] : memref<4x4096x1024xf32, #tpu.memory_space<hbm>> -> memref<4x8x1024xf32, #tpu.memory_space<hbm>>
    %dma_wait3A_55 = arith.constant 0 : i32
    %dma_wait3A_56 = arith.constant 0 : i32
    %dma_wait3A_57 = tpu.memref_slice %arg6[%dma_wait3A_55, %add3A_45, %dma_wait3A_56] : memref<4x4096x1024xf32, #tpu.memory_space<hbm>> -> memref<4x8x1024xf32, #tpu.memory_space<hbm>>
    %dma_wait3A_58 = arith.constant 0 : i32
    %dma_wait3A_59 = arith.constant 0 : i32
    %dma_wait3A_60 = arith.constant 0 : i32
    %dma_wait3A_61 = tpu.memref_slice %arg7[%dma_wait3A_46, %dma_wait3A_58, %dma_wait3A_59, %dma_wait3A_60] : memref<2x4x8x1024xf32, #tpu.memory_space<vmem>> -> memref<1x4x8x1024xf32, #tpu.memory_space<vmem>>
    %dma_wait3A_62 = tpu.memref_squeeze %dma_wait3A_61 : memref<1x4x8x1024xf32, #tpu.memory_space<vmem>> -> memref<4x8x1024xf32, #tpu.memory_space<vmem>>
    tpu.wait_dma2 semaphore(%arg14 : memref<!tpu.dma_semaphore, #tpu.memory_space<semaphore_mem>>) src(%dma_wait3A_62 : memref<4x8x1024xf32, #tpu.memory_space<vmem>>) dst(%dma_wait3A_57 : memref<4x8x1024xf32, #tpu.memory_space<hbm>>)
    return
  }
}

</mosaic_0001>

<sc_bundles>
// kernel: _run.3.cloned.1.call-start
scs
__scs_entry_jumppad:
0x0: {  	(pc) =	sbr.rel $0x88, $3  }
0x1: {  	(tag) =	ssettag $0x0;
	lr =	simm.s32 $0x1  }
0x2: {  	[smem:$0x3F9D] =	sst lr;
	_ =	strace $0xD0000000  }
0x3: {  	_ = 	snop  }
0x4: {  	_ = 	snop  }
0x5: {  	_ = 	snop  }
0x6: {  	_ = 	snop  }
0x7: {  	_ = 	snop  }
__scs_overlays_trampoline_lowered:
0x8: {  	[smem:$0x3FAC] =	sst s0  }
0x9: {  	[smem:$0x3FAD] =	sst s1  }
0xa: {  	[smem:$0x3FAE] =	sst s2  }
0xb: {  	[smem:$0x3FAF] =	sst s3  }
0xc: {  	[smem:$0x3FB0] =	sst s4  }
0xd: {  	[smem:$0x3FB1] =	sst s5  }
0xe: {  	[smem:$0x3FB2] =	sst s6  }
0xf: {  	[smem:$0x3FB3] =	sst s7  }
0x10: {  	[smem:$0x3FB4] =	sst s8  }
0x11: {  	[smem:$0x3FB5] =	sst s9;
	s0 =	simm.s32 @!p0 $0x0  }
0x12: {  	s1 =	sld [smem:$0x3F9B];
	s0 =	simm.s32 @p0 $0x1  }
0x13: {  	[smem:$0x3FB6] =	sst s0;
	s0 =	simm.s32 @!p1 $0x0  }
0x14: {  	s2 =	sld [smem:$0x3F9A];
	s0 =	simm.s32 @p1 $0x1  }
0x15: {  	[smem:$0x3FB7] =	sst s0;
	s0 =	simm.s32 @!p2 $0x0  }
0x16: {  	s3 =	sld [smem:$0x3FDB];
	s0 =	simm.s32 @p2 $0x1  }
0x17: {  	s4 =	simm.s32 $0x1BF5;
	[smem:$0x3FB9] =	sst s0  }
0x18: {  	s0 =	sld [smem:$0x3F9C];
	_ =	swait.ge [sflag:s4], $0x0  }
0x19: {  	s7 =	sld [smem:$0x3F9D]  }
0x1a: {  	s8 =	sadd.s32 $0xFFFFE003, lr  }
0x1b: {  	s9 =	sadd.s32 $0xFFFFFEF7, lr;
	s5 =	simm.s32 $0xFFFFFFFF;
	p2 =	slt.u32 s8, $0xFFFFF086  }
0x1c: {  	p1 =	slt.u32 s9, $0xF7A;
	s5 =	simm.s32 @!p2 $0x0  }
0x1d: {  	s5 =	simm.s32 @p1 $0x1;
	p0 =	seq.s32 s7, s2  }
0x1e: {  	s7 =	smul.u32 @!p0 $0xF7A, s2;
	p2 =	seq.s32 @!p0 s5, $0x0  }
0x1f: {  	s9 =	smul.u32 $0xF7A, s1;
	s8 =	simm.s32 @!p0 $0x1BF5;
	p2 =	por !p2, p0  }
0x20: {  	[sflag:s8] =	ssyncset.s32 @!p0 $0xFFFFF086;
	s6 =	sadd.s32 @!p0 s3, s7;
	s7 =	simm.s32 @!p0 $0x108  }
0x21: {  	s3 =	sadd.s32 s3, s9;
	s6 =	sadd.s32 @!p0 $0x88, s6;
	s7 =	simm.s32 @p2 $0x1082  }
0x22: {  	[simem:s7], [sflag:s8] =	dma.local @!p0 [hbm:s6], $0xF7A  }
0x23: {  	s9 =	sor.u32 $0xD0000000, s2;
	s6 =	simm.s32 $0x108;
	_ =	swait.ge @!p0 [sflag:s8], $0x0  }
0x24: {  	s3 =	sadd.s32 $0x88, s3;
	s6 =	simm.s32 @!p1 $0x1082;
	[sflag:s4] =	ssyncset.s32 $0xFFFFF086  }
0x25: {  	[simem:s6], [sflag:s4] =	dma.local [hbm:s3], $0xF7A  }
0x26: {  	[smem:$0x3F9D] =	sst s1;
	(tag) =	ssettag s2;
	_ =	strace s9  }
0x27: {  	s1 =	sld [smem:$0x3FAD]  }
0x28: {  	s2 =	sld [smem:$0x3FAE]  }
0x29: {  	s4 =	sld [smem:$0x3FB0]  }
0x2a: {  	p0 =	seq.s32 s5, $0x0;
	s5 =	sld [smem:$0x3FB1]  }
0x2b: {  	s6 =	sld [smem:$0x3FB2]  }
0x2c: {  	s7 =	sld [smem:$0x3FB3]  }
0x2d: {  	s3 =	simm.s32 $0x108;
	s8 =	sld [smem:$0x3FB4]  }
0x2e: {  	s3 =	simm.s32 @!p0 $0x1082;
	s9 =	sld [smem:$0x3FB5]  }
0x2f: {  	lr =	sadd.s32 s0, s3;
	s0 =	sld [smem:$0x3FAC]  }
0x30: {  	s3 =	sld [smem:$0x3FAF]  }
0x31: {  	[smem:$0x3FB8] =	sst s10  }
0x32: {  	s10 =	sld [smem:$0x3FB6];
	_ =	sdelay $0x3  }
0x33: {  	p0 =	seq.s32 s10, $0x1;
	s10 =	sld [smem:$0x3FB8];
	_ =	sdelay $0x3  }
0x34: {  	[smem:$0x3FB8] =	sst s10  }
0x35: {  	s10 =	sld [smem:$0x3FB7];
	_ =	sdelay $0x3  }
0x36: {  	p1 =	seq.s32 s10, $0x1;
	s10 =	sld [smem:$0x3FB8];
	_ =	sdelay $0x3  }
0x37: {  	[smem:$0x3FB8] =	sst s10  }
0x38: {  	s10 =	sld [smem:$0x3FB9]  }
0x39: {  	_ = 	snop;
	(pc) =	sbr.ind lr, $3  }
0x3a: {  	_ = 	snop  }
0x3b: {  	_ = 	snop  }
0x3c: {  	p2 =	seq.s32 s10, $0x1;
	s10 =	sld [smem:$0x3FB8]  }
0x3d: {  	_ =	shalt  }
0x3e: {  	_ =	shalt  }
0x3f: {  	_ =	shalt  }
0x40: {  	_ =	shalt  }
0x41: {  	_ =	shalt  }
0x42: {  	_ =	shalt  }
0x43: {  	_ =	shalt  }
0x44: {  	_ =	shalt  }
0x45: {  	_ =	shalt  }
0x46: {  	_ =	shalt  }
0x47: {  	_ =	shalt  }
0x48: {  	_ =	shalt  }
0x49: {  	_ =	shalt  }
0x4a: {  	_ =	shalt  }
0x4b: {  	_ =	shalt  }
0x4c: {  	_ =	shalt  }
0x4d: {  	_ =	shalt  }
0x4e: {  	_ =	shalt  }
0x4f: {  	_ =	shalt  }
0x50: {  	_ =	shalt  }
0x51: {  	_ =	shalt  }
0x52: {  	_ =	shalt  }
0x53: {  	_ =	shalt  }
0x54: {  	_ =	shalt  }
0x55: {  	_ =	shalt  }
0x56: {  	_ =	shalt  }
0x57: {  	_ =	shalt  }
0x58: {  	_ =	shalt  }
0x59: {  	_ =	shalt  }
0x5a: {  	_ =	shalt  }
0x5b: {  	_ =	shalt  }
0x5c: {  	_ =	shalt  }
0x5d: {  	_ =	shalt  }
0x5e: {  	_ =	shalt  }
0x5f: {  	_ =	shalt  }
0x60: {  	_ =	shalt  }
0x61: {  	_ =	shalt  }
0x62: {  	_ =	shalt  }
0x63: {  	_ =	shalt  }
0x64: {  	_ =	shalt  }
0x65: {  	_ =	shalt  }
0x66: {  	_ =	shalt  }
0x67: {  	_ =	shalt  }
0x68: {  	_ =	shalt  }
0x69: {  	_ =	shalt  }
0x6a: {  	_ =	shalt  }
0x6b: {  	_ =	shalt  }
0x6c: {  	_ =	shalt  }
0x6d: {  	_ =	shalt  }
0x6e: {  	_ =	shalt  }
0x6f: {  	_ =	shalt  }
0x70: {  	_ =	shalt  }
0x71: {  	_ =	shalt  }
0x72: {  	_ =	shalt  }
0x73: {  	_ =	shalt  }
0x74: {  	_ =	shalt  }
0x75: {  	_ =	shalt  }
0x76: {  	_ =	shalt  }
0x77: {  	_ =	shalt  }
0x78: {  	_ =	shalt  }
0x79: {  	_ =	shalt  }
0x7a: {  	_ =	shalt  }
0x7b: {  	_ =	shalt  }
0x7c: {  	_ =	shalt  }
0x7d: {  	_ =	shalt  }
0x7e: {  	_ =	shalt  }
0x7f: {  	_ =	shalt  }
0x80: {  	_ =	shalt  }
0x81: {  	_ =	shalt  }
0x82: {  	_ =	shalt  }
0x83: {  	_ =	shalt  }
0x84: {  	_ =	shalt  }
0x85: {  	_ =	shalt  }
0x86: {  	_ =	shalt  }
0x87: {  	_ =	shalt  }
.Lfunc_end0:
.L_simem_size_0:
called_computation_lowered:
.L_overlay_start_0:
0x88: {  	s2 =	sld [smem:$0x3FD9]  }
0x89: {  	s3 =	sld [smem:$0x3FFE];
	_ =	sdelay $0x1  }
0x8a: {  	s1 =	srdreg.scid  }
0x8b: {  	s0 =	sand.u32 $0x1, s1  }
0x8c: {  	s18 =	sshll.u32 s0, $0xA;
	s2 =	sadd.s32 s3, s2  }
0x8d: {  	s2 =	sadd.s32 s2, s18  }
0x8e: {  	[smem:$0x3FC4] =	sst s2  }
0x8f: {  	_ = 	snop  }
0x90: {  	s2 =	sld [smem:$0x3FC9]  }
0x91: {  	s19 =	sld [smem:$0x3FC8]  }
0x92: {  	s4 =	sld [smem:$0x3FC7]  }
0x93: {  	s5 =	sld [smem:$0x3FC6]  }
0x94: {  	s6 =	sld [smem:$0x3FD0];
	(tm) =	ssettm $0x1  }
0x95: {  	s7 =	sld [smem:$0x3FFB];
	_ =	sdelay $0x3  }
0x96: {  	_ =	strace s7  }
0x97: {  	s7 =	sld [smem:$0x3FFC];
	_ =	sdelay $0x3  }
0x98: {  	_ =	strace s7  }
0x99: {  	s7 =	sld [smem:$0x3FFD];
	_ =	sdelay $0x3  }
0x9a: {  	_ =	strace s7  }
0x9b: {  	_ =	strace $0x8FFFFFFF  }
0x9c: {  	s20 =	sld [smem:$0x3FDB];
	_ =	sdelay $0x1  }
0x9d: {  	s8 =	simm.s32 $_scs_section_size  }
0x9e: {  	s9 =	simm.s32 $_size__tile_overlayer_lowered;
	s10 =	simm.s32 $_tile_overlayer_lowered  }
0x9f: {  	s23 =	simm.s32 $0x1BFF;
	s22 =	sshll.u32 s10, $0x1;
	s7 =	sadd.s32 s8, s20  }
0xa0: {  	s11 =	simm.s32 $0x0;
	s21 =	sshll.u32 s9, $0x1;
	s9 =	sadd.s32 s22, s7  }
0xa1: {  	[timem:s11], [sflag:s23] =	dma.local [hbm:s9], s21  }
0xa2: {  	_ =	swait.ge [sflag:s23], s21  }
0xa3: {  	s8 =	ssub.s32 $0x0, s21;
	[sflag:s23] =	ssyncset.done $0x0  }
0xa4: {  	[sflag:s23] =	ssyncadd.s32 s8;
	_ =	sdelay $0x1  }
0xa5: {  	s24 =	simm.s32 $0x1B8B  }
0xa6: {  	_ =	swait.ge [sflag:s24], $0x1  }
0xa7: {  	[sflag:s24] =	ssyncset.done $0x0  }
0xa8: {  	s25 =	simm.s32 $0x1B8E;
	[sflag:s24] =	ssyncadd.s32 $0xFFFFFFFF  }
0xa9: {  	s26 =	simm.s32 $execute0_lowered;
	[smem:$0x3FD2] =	sst s25  }
0xaa: {  	s8 =	sshll.u32 s26, $0x1;
	_ =	strace $0x80000046;
	[dreg:$0x1] =	wrdreg $0xFFFFFFFF  }
0xab: {  	s28 =	simm.s32 $_size_execute0_lowered;
	s7 =	sadd.s32 s7, s8;
	[dreg:$0x0] =	wrdreg $0x0  }
0xac: {  	s8 =	sshll.u32 s28, $0x1;
	[dreg:$0x2] =	wrdreg s7  }
0xad: {  	[dreg:$0x3] =	wrdreg s8  }
0xae: {  	[dreg:$0x4] =	wrdreg $0xC0  }
0xaf: {  	_ =	task [dreg:s11], $0x5FFFF  }
0xb0: {  	[dreg:$0x1] =	wrdreg $0xFFFFFFFF  }
0xb1: {  	[dreg:$0x0] =	wrdreg $0x60  }
0xb2: {  	[dreg:$0x2] =	wrdreg s2  }
0xb3: {  	[dreg:$0x3] =	wrdreg s19  }
0xb4: {  	[dreg:$0x4] =	wrdreg s4  }
0xb5: {  	[dreg:$0x5] =	wrdreg s5  }
0xb6: {  	[dreg:$0x6] =	wrdreg s6  }
0xb7: {  	[dreg:$0x7] =	wrdreg $0x9  }
0xb8: {  	_ =	task.clear_ibuf [dreg:s11], $0x8FFFF;
	_ =	strace $0x90000046  }
0xb9: {  	s29 =	simm.s32 $0x9;
	_ =	strace $0x80000048  }
0xba: {  	_ =	swait.ge [sflag:s29], $0x1  }
0xbb: {  	[sflag:s29] =	ssyncadd.s32 $0xFFFFFFFF  }
0xbc: {  	_ =	strace $0x90000048  }
0xbd: {  	_ =	sfence  }
0xbe: {  	s30 =	sld [smem:$0x0];
	_ =	sdelay $0x2  }
0xbf: {  	s31 =	sshll.u32 s1, $0xD;
	s1 =	sshrl.u32 s1, $0x2  }
0xc0: {  	s3 =	sand.u32 $0x4000, s31;
	s1 =	sadd.s32 s1, s30  }
0xc1: {  	s0 =	sor.u32 s3, s0;
	s1 =	sshll.u32 s1, $0x11  }
0xc2: {  	s0 =	sor.u32 s1, s0  }
0xc3: {  	s0 =	sadd.s32 $0x8F2B, s0  }
0xc4: {  	[sflag:s0] =	ssyncadd.remote.s32 $0x1  }
0xc5: {  	_ =	sfence.sel $0xFFFF  }
0xc6: {  	[dreg:$0x0] =	wrdreg $0xFFFFFFFF;
	(pc) =	sbr.abs _section_cstart, $3  }
0xc7: {  	[dreg:$0x1] =	wrdreg $0xFFFFFFFF  }
0xc8: {  	_ =	task.clear_ibuf [dreg:s11], $0x2FFFF;
	_ =	strace $0x9FFFFFFF  }
0xc9: {  	(tm) =	ssettm $0x7FFFFFFF  }
tec
execute0_lowered:
.L_overlay_start_1:
0x0: {  	(tag) =	ssettag $0x1  }
0x1: {  	s1 =	rddreg [dreg:$0x0]  }
0x2: {  	s3 =	rddreg [dreg:$0x2]  }
0x3: {  	s6 =	rddreg [dreg:$0x4];
	s0 =	srdreg.scid  }
0x4: {  	s2 =	stileid.u32;
	s7 =	simm.s32 $0x0;
	s15 =	simm.s32 $0x6  }
0x5: {  	s17 =	simm.s32 $0x5;
	s19 =	simm.s32 $0x2000;
	s20 =	simm.s32 $0x400000  }
0x6: {  	s21 =	simm.s32 $0x12000;
	s22 =	simm.s32 $0x8000;
	s23 =	simm.s32 $0x1  }
0x7: {  	s24 =	simm.s32 $0x3;
	s25 =	simm.s32 $0x2;
	s26 =	simm.s32 $0x4  }
0x8: {  	s28 =	simm.s32 $0x0;
	s0 =	sand.u32 $0x1, s0;
	s2 =	sshll.u32 s2, $0x8  }
0x9: {  	[smem:$0x7FF] =	sst s7;
	s4 =	sshll.u32 s0, $0x7;
	s0 =	ssub.s32 $0x2, s0  }
0xa: {  	_ =	strace $0x80000047;
	s2 =	sor.u32 s4, s2;
	s30 =	sshrl.u32 s0, $0x1  }
0xb: {  	s5 =	sshll.u32 s2, $0x7;
	s0 =	ssub.s32 s0, s30;
	s9 =	sshrl.u32 s2, $0x3  }
0xc: {  	v1 =	vlaneseq.u32;
	s31 =	sadd.s32 s3, s5;
	s10 =	sadd.s32 s1, s5;
	s11 =	sadd.s32 s6, s5  }
0xd: {  	v0 =	vimm.s32 $0x0;
	vm0 =	vmmov $0xff;
	v1 =	vmul.u32 $0x8, v1;
	s12 =	sor.u32 $0x2, s9;
	s13 =	smax.u32 s0, $0x1;
	[dreg:$0x6] =	wrdreg s31  }
.LBB2_1:
0xe: {  	s0 =	rddreg [dreg:$0x1];
	s2 =	simm.s32 $0x14400  }
0xf: {  	[tilespmem:s2], [sflag:$0x6] =	stream.linear.gather [hbm4b:s0+s7], $0x80, $0x38;
	[tilespmem:$0x14480] =	vst v63  }
0x10: {  	_ =	swait.ge [sflag:s15], $0x80  }
0x11: {  	[sflag:s15] =	ssyncset.done $0x0  }
0x12: {  	[sflag:s15] =	ssyncadd.s32 $0xFFFFFF80  }
0x13: {  	v2 =	vld.msk [tilespmem:$0x14400], $0x1;
	_ =	sdelay $0x4  }
0x14: {  	v3 =	vshll.u32 v2, $0x3  }
0x15: {  	v2 =	vand.u32 $0x7, v2;
	v3 =	vand.u32 $0xFFFFFFC0, v3  }
0x16: {  	v2 =	vor.u32 v2, v3  }
0x17: {  	v2 =	vperm.xlane v2, v0;
	_ =	sdelay $0x1  }
0x18: {  	v2 =	vadd.s32 v1, v2;
	_ =	sdelay $0x3  }
0x19: {  	s18 =	simm.s32 $0x14000;
	s16 =	rddreg [dreg:$0x3]  }
0x1a: {  	[tilespmem:s18], [sflag:$0x5] =	stream.indirect_vreg.gather [hbm4b:s16+s7], $0x80, v2, vm0, $0xb8;
	[tilespmem:$0x14480] =	vst v63  }
0x1b: {  	_ =	swait.ge [sflag:s17], $0x400  }
0x1c: {  	[sflag:s17] =	ssyncset.done $0x0  }
0x1d: {  	s31 =	simm.s32 $0x10000;
	s30 =	rddreg [dreg:$0x6];
	[sflag:s17] =	ssyncadd.s32 $0xFFFFFC00  }
0x1e: {  	[tilespmem:s31], [sflag:$0x1] =	stream.linear.gather [hbm4b:s30+s7], $0x2000, $0x38;
	[tilespmem:$0x14480] =	vst v63  }
0x1f: {  	s29 =	simm.s32 $0x0  }
0x20: {  	[tilespmem:s7], [sflag:$0x1] =	stream.strided.gather [hbm4b:s10+s19], $0x8000, s20, s19, $0x38;
	[tilespmem:$0x14480] =	vst v63  }
.LBB2_2:
0x21: {  	s31 =	sshll.u32 s29, $0x1;
	p0 =	seq.s32 s29, $0x0  }
0x22: {  	s0 =	simm.s32 @!p0 $0x4;
	s2 =	sadd.s32 s31, s9  }
0x23: {  	_ =	swait.ge @!p0 [sflag:s0], $0x8000;
	s2 =	sshll.u32 s2, $0xA  }
0x24: {  	[sflag:s0] =	ssyncset.done @!p0 $0x0;
	s30 =	sadd.s32 $0x400, s2  }
0x25: {  	s18 =	simm.s32 $0x0;
	[sflag:s0] =	ssyncadd.s32 @!p0 $0xFFFF8000;
	s16 =	sadd.s32 s3, s30  }
0x26: {  	[tilespmem:s21], [sflag:$0x2] =	stream.linear.gather [hbm4b:s16+s18], $0x2000, $0x38;
	[tilespmem:$0x14480] =	vst v63  }
0x27: {  	s8 =	sadd.s32 s1, s30  }
0x28: {  	[tilespmem:s22], [sflag:$0x2] =	stream.strided.gather [hbm4b:s8+s19], $0x8000, s20, s19, $0x38;
	[tilespmem:$0x14480] =	vst v63  }
0x29: {  	_ =	swait.ge [sflag:s23], $0x2000  }
0x2a: {  	[sflag:s23] =	ssyncset.done $0x0  }
0x2b: {  	[sflag:s23] =	ssyncadd.s32 $0xFFFFE000  }
0x2c: {  	_ =	swait.ge [sflag:s23], $0x8000  }
0x2d: {  	s14 =	simm.s32 $0x14000;
	[sflag:s23] =	ssyncset.done $0x0  }
0x2e: {  	s4 =	sand.u32 $0x70, s18;
	s5 =	sand.u32 $0x1C00, s18;
	[sflag:s23] =	ssyncadd.s32 $0xFFFF8000  }
0x2f: {  	s0 =	sor.u32 s4, s5;
	v2 =	vld [tilespmem:s14+$0x0]  }
0x30: {  	v3 =	vld [tilespmem:s0+$0x10280]  }
0x31: {  	v4 =	vld [tilespmem:s0+$0x10000]  }
0x32: {  	v5 =	vld [tilespmem:s0+$0x10200]  }
0x33: {  	v6 =	vld [tilespmem:s0+$0x10180]  }
0x34: {  	s2 =	sor.u32 s18, s18;
	v7 =	vld [tilespmem:s0+$0x10080]  }
0x35: {  	s2 =	sor.u32 $0x380, s2;
	v8 =	vld [tilespmem:s0+$0x10100]  }
0x36: {  	v9 =	vld [tilespmem:s2+$0x10000];
	v4 =	vadd.f32 v4, v2  }
0x37: {  	v10 =	vld [tilespmem:s0+$0x10300]  }
0x38: {  	s4 =	sor.u32 $0x2000, s0;
	[tilespmem:s0+$0x0] =	vst.add.f32.msk $0xffff, v4  }
0x39: {  	s16 =	sor.u32 $0x4000, s0;
	[tilespmem:s4+$0x0] =	vst.add.f32.msk $0xffff, v4  }
0x3a: {  	s18 =	sor.u32 $0x6000, s0;
	v7 =	vadd.f32 v7, v2;
	[tilespmem:s16+$0x0] =	vst.add.f32.msk $0xffff, v4  }
0x3b: {  	s5 =	sor.u32 $0x80, s0;
	[tilespmem:s18+$0x0] =	vst.add.f32.msk $0xffff, v4  }
0x3c: {  	s8 =	sor.u32 $0x2080, s0;
	[tilespmem:s5+$0x0] =	vst.add.f32.msk $0xffff, v7  }
0x3d: {  	s14 =	sor.u32 $0x4080, s0;
	[tilespmem:s8+$0x0] =	vst.add.f32.msk $0xffff, v7  }
0x3e: {  	v61 =	vadd.f32 v8, v2;
	s16 =	sor.u32 $0x6080, s0;
	[tilespmem:s14+$0x0] =	vst.add.f32.msk $0xffff, v7  }
0x3f: {  	s18 =	sor.u32 $0x100, s0;
	[tilespmem:s16+$0x0] =	vst.add.f32.msk $0xffff, v7  }
0x40: {  	s8 =	sor.u32 $0x2100, s0;
	[tilespmem:s18+$0x0] =	vst.add.f32.msk $0xffff, v61  }
0x41: {  	s14 =	sor.u32 $0x4100, s0;
	[tilespmem:s8+$0x0] =	vst.add.f32.msk $0xffff, v61  }
0x42: {  	v6 =	vadd.f32 v6, v2;
	s16 =	sor.u32 $0x6100, s0;
	[tilespmem:s14+$0x0] =	vst.add.f32.msk $0xffff, v61  }
0x43: {  	s18 =	sor.u32 $0x180, s0;
	[tilespmem:s16+$0x0] =	vst.add.f32.msk $0xffff, v61  }
0x44: {  	s8 =	sor.u32 $0x2180, s0;
	[tilespmem:s18+$0x0] =	vst.add.f32.msk $0xffff, v6  }
0x45: {  	s14 =	sor.u32 $0x4180, s0;
	[tilespmem:s8+$0x0] =	vst.add.f32.msk $0xffff, v6  }
0x46: {  	v62 =	vadd.f32 v5, v2;
	s16 =	sor.u32 $0x6180, s0;
	[tilespmem:s14+$0x0] =	vst.add.f32.msk $0xffff, v6  }
0x47: {  	s18 =	sor.u32 $0x200, s0;
	[tilespmem:s16+$0x0] =	vst.add.f32.msk $0xffff, v6  }
0x48: {  	s8 =	sor.u32 $0x2200, s0;
	[tilespmem:s18+$0x0] =	vst.add.f32.msk $0xffff, v62  }
0x49: {  	s14 =	sor.u32 $0x4200, s0;
	[tilespmem:s8+$0x0] =	vst.add.f32.msk $0xffff, v62  }
0x4a: {  	v3 =	vadd.f32 v3, v2;
	s16 =	sor.u32 $0x6200, s0;
	[tilespmem:s14+$0x0] =	vst.add.f32.msk $0xffff, v62  }
0x4b: {  	s18 =	sor.u32 $0x280, s0;
	[tilespmem:s16+$0x0] =	vst.add.f32.msk $0xffff, v62  }
0x4c: {  	s8 =	sor.u32 $0x2280, s0;
	[tilespmem:s18+$0x0] =	vst.add.f32.msk $0xffff, v3  }
0x4d: {  	s14 =	sor.u32 $0x4280, s0;
	[tilespmem:s8+$0x0] =	vst.add.f32.msk $0xffff, v3  }
0x4e: {  	v63 =	vadd.f32 v10, v2;
	s16 =	sor.u32 $0x6280, s0;
	[tilespmem:s14+$0x0] =	vst.add.f32.msk $0xffff, v3  }
0x4f: {  	s18 =	sor.u32 $0x300, s0;
	[tilespmem:s16+$0x0] =	vst.add.f32.msk $0xffff, v3  }
0x50: {  	s5 =	sor.u32 $0x2300, s0;
	[tilespmem:s18+$0x0] =	vst.add.f32.msk $0xffff, v63  }
0x51: {  	s8 =	sor.u32 $0x4300, s0;
	[tilespmem:s5+$0x0] =	vst.add.f32.msk $0xffff, v63  }
0x52: {  	v2 =	vadd.f32 v9, v2;
	s14 =	sor.u32 $0x6300, s0;
	[tilespmem:s8+$0x0] =	vst.add.f32.msk $0xffff, v63  }
0x53: {  	[tilespmem:s14+$0x0] =	vst.add.f32.msk $0xffff, v63  }
0x54: {  	s16 =	sor.u32 $0x2380, s0;
	[tilespmem:s2+$0x0] =	vst.add.f32.msk $0xffff, v2  }
0x55: {  	s4 =	simm.s32 $0x14010;
	s18 =	sor.u32 $0x4380, s0;
	[tilespmem:s16+$0x0] =	vst.add.f32.msk $0xffff, v2  }
0x56: {  	s5 =	sor.u32 $0x6380, s0;
	s0 =	simm.s32 $0x80;
	s14 =	simm.s32 $0x10;
	[tilespmem:s18+$0x0] =	vst.add.f32.msk $0xffff, v2  }
.LBB2_3:
0x57: {  	s16 =	sand.u32 $0x70, s14  }
0x58: {  	s18 =	sand.u32 $0x1C00, s0;
	[tilespmem:s5+$0x0] =	vst.add.f32.msk $0xffff, v2;
	s8 =	smov.u32 s14;
	s2 =	sadd.s32 $0x10, s14  }
0x59: {  	p0 =	sne.s32 s14, $0x3F0;
	v2 =	vld [tilespmem:s4+$0x0];
	s5 =	sor.u32 s16, s18  }
0x5a: {  	v3 =	vld [tilespmem:s5+$0x10280]  }
0x5b: {  	v4 =	vld [tilespmem:s5+$0x10000]  }
0x5c: {  	v5 =	vld [tilespmem:s5+$0x10200]  }
0x5d: {  	v6 =	vld [tilespmem:s5+$0x10180]  }
0x5e: {  	s8 =	sor.u32 s0, s8;
	v7 =	vld [tilespmem:s5+$0x10080]  }
0x5f: {  	s14 =	sor.u32 $0x380, s8;
	v8 =	vld [tilespmem:s5+$0x10100]  }
0x60: {  	v4 =	vadd.f32 v4, v2;
	v9 =	vld [tilespmem:s14+$0x10000]  }
0x61: {  	v10 =	vld [tilespmem:s5+$0x10300]  }
0x62: {  	s8 =	sor.u32 $0x2000, s5;
	[tilespmem:s5+$0x0] =	vst.add.f32.msk $0xffff, v4  }
0x63: {  	[tilespmem:s8+$0x0] =	vst.add.f32.msk $0xffff, v4;
	s8 =	sor.u32 $0x4000, s5  }
0x64: {  	v7 =	vadd.f32 v7, v2;
	[tilespmem:s8+$0x0] =	vst.add.f32.msk $0xffff, v4;
	s8 =	sor.u32 $0x6000, s5  }
0x65: {  	s16 =	sor.u32 $0x80, s5;
	[tilespmem:s8+$0x0] =	vst.add.f32.msk $0xffff, v4  }
0x66: {  	s8 =	sor.u32 $0x2080, s5;
	[tilespmem:s16+$0x0] =	vst.add.f32.msk $0xffff, v7  }
0x67: {  	[tilespmem:s8+$0x0] =	vst.add.f32.msk $0xffff, v7;
	s8 =	sor.u32 $0x4080, s5  }
0x68: {  	v4 =	vadd.f32 v8, v2;
	[tilespmem:s8+$0x0] =	vst.add.f32.msk $0xffff, v7;
	s8 =	sor.u32 $0x6080, s5  }
0x69: {  	s16 =	sor.u32 $0x100, s5;
	[tilespmem:s8+$0x0] =	vst.add.f32.msk $0xffff, v7  }
0x6a: {  	s8 =	sor.u32 $0x2100, s5;
	[tilespmem:s16+$0x0] =	vst.add.f32.msk $0xffff, v4  }
0x6b: {  	[tilespmem:s8+$0x0] =	vst.add.f32.msk $0xffff, v4;
	s8 =	sor.u32 $0x4100, s5  }
0x6c: {  	v6 =	vadd.f32 v6, v2;
	[tilespmem:s8+$0x0] =	vst.add.f32.msk $0xffff, v4;
	s8 =	sor.u32 $0x6100, s5  }
0x6d: {  	s16 =	sor.u32 $0x180, s5;
	[tilespmem:s8+$0x0] =	vst.add.f32.msk $0xffff, v4  }
0x6e: {  	s8 =	sor.u32 $0x2180, s5;
	[tilespmem:s16+$0x0] =	vst.add.f32.msk $0xffff, v6  }
0x6f: {  	[tilespmem:s8+$0x0] =	vst.add.f32.msk $0xffff, v6;
	s8 =	sor.u32 $0x4180, s5  }
0x70: {  	v4 =	vadd.f32 v5, v2;
	[tilespmem:s8+$0x0] =	vst.add.f32.msk $0xffff, v6;
	s8 =	sor.u32 $0x6180, s5  }
0x71: {  	s16 =	sor.u32 $0x200, s5;
	[tilespmem:s8+$0x0] =	vst.add.f32.msk $0xffff, v6  }
0x72: {  	s8 =	sor.u32 $0x2200, s5;
	[tilespmem:s16+$0x0] =	vst.add.f32.msk $0xffff, v4  }
0x73: {  	[tilespmem:s8+$0x0] =	vst.add.f32.msk $0xffff, v4;
	s8 =	sor.u32 $0x4200, s5  }
0x74: {  	v3 =	vadd.f32 v3, v2;
	[tilespmem:s8+$0x0] =	vst.add.f32.msk $0xffff, v4;
	s8 =	sor.u32 $0x6200, s5  }
0x75: {  	s16 =	sor.u32 $0x280, s5;
	[tilespmem:s8+$0x0] =	vst.add.f32.msk $0xffff, v4  }
0x76: {  	s8 =	sor.u32 $0x2280, s5;
	[tilespmem:s16+$0x0] =	vst.add.f32.msk $0xffff, v3  }
0x77: {  	[tilespmem:s8+$0x0] =	vst.add.f32.msk $0xffff, v3;
	s8 =	sor.u32 $0x4280, s5  }
0x78: {  	v4 =	vadd.f32 v10, v2;
	[tilespmem:s8+$0x0] =	vst.add.f32.msk $0xffff, v3;
	s8 =	sor.u32 $0x6280, s5  }
0x79: {  	s16 =	sor.u32 $0x300, s5;
	[tilespmem:s8+$0x0] =	vst.add.f32.msk $0xffff, v3  }
0x7a: {  	s8 =	sor.u32 $0x2300, s5;
	[tilespmem:s16+$0x0] =	vst.add.f32.msk $0xffff, v4  }
0x7b: {  	[tilespmem:s8+$0x0] =	vst.add.f32.msk $0xffff, v4;
	s8 =	sor.u32 $0x4300, s5  }
.Ltmp0:
0x7c: {  	v2 =	vadd.f32 v9, v2;
	[tilespmem:s8+$0x0] =	vst.add.f32.msk $0xffff, v4;
	s8 =	sor.u32 $0x6300, s5;
	(pc) =	sbr.rel @p0 .LBB2_3-.Ltmp0, $4  }
0x7d: {  	[tilespmem:s8+$0x0] =	vst.add.f32.msk $0xffff, v4  }
0x7e: {  	s8 =	sor.u32 $0x2380, s5;
	[tilespmem:s14+$0x0] =	vst.add.f32.msk $0xffff, v2  }
0x7f: {  	s0 =	sadd.s32 $0x80, s0;
	[tilespmem:s8+$0x0] =	vst.add.f32.msk $0xffff, v2;
	s8 =	sor.u32 $0x4380, s5  }
0x80: {  	s4 =	sadd.s32 $0x10, s4;
	s14 =	smov.u32 s2;
	s5 =	sor.u32 $0x6380, s5;
	[tilespmem:s8+$0x0] =	vst.add.f32.msk $0xffff, v2  }
0x81: {  	s0 =	sshll.u32 s29, $0xB  }
0x82: {  	[tilespmem:s5+$0x0] =	vst.add.f32.msk $0xffff, v2;
	p0 =	seq.s32 s29, $0x7;
	s0 =	sadd.s32 s0, s11  }
0x83: {  	[hbm4b:s0+s19] =	stream.strided.scatter [tilespmem:s7], [sflag:$0x3], $0x8000, s20, s19, $0x38;
	[tilespmem:$0x14480] =	vst v63  }
0x84: {  	s0 =	sadd.s32 @!p0 s31, s12  }
0x85: {  	_ =	swait.ge [sflag:s24], $0x8000;
	s0 =	sshll.u32 @!p0 s0, $0xA  }
0x86: {  	s4 =	simm.s32 @!p0 $0x0;
	[sflag:s24] =	ssyncset.done $0x0;
	s0 =	sand.u32 @!p0 $0x1FFFF800, s0  }
0x87: {  	s5 =	simm.s32 @!p0 $0x10000;
	[sflag:s24] =	ssyncadd.s32 $0xFFFF8000;
	s2 =	sadd.s32 @!p0 s3, s0  }
0x88: {  	[tilespmem:s5], [sflag:$0x1] =	stream.linear.gather @!p0 [hbm4b:s2+s4], $0x2000, $0x38;
	[tilespmem:$0x14480] =	vst v63  }
0x89: {  	s0 =	sadd.s32 @!p0 s1, s0;
	s2 =	simm.s32 @!p0 $0x2000;
	s5 =	simm.s32 @!p0 $0x400000  }
0x8a: {  	[tilespmem:s4], [sflag:$0x1] =	stream.strided.gather @!p0 [hbm4b:s0+s2], $0x8000, s5, s2, $0x38;
	[tilespmem:$0x14480] =	vst v63  }
0x8b: {  	_ =	swait.ge [sflag:s25], $0x2000  }
0x8c: {  	[sflag:s25] =	ssyncset.done $0x0  }
0x8d: {  	[sflag:s25] =	ssyncadd.s32 $0xFFFFE000  }
0x8e: {  	_ =	swait.ge [sflag:s25], $0x8000  }
0x8f: {  	s8 =	simm.s32 $0x14000;
	s5 =	simm.s32 $0x0;
	[sflag:s25] =	ssyncset.done $0x0  }
0x90: {  	s14 =	sand.u32 $0x70, s5;
	s0 =	sand.u32 $0x1C00, s5;
	[sflag:s25] =	ssyncadd.s32 $0xFFFF8000  }
0x91: {  	s0 =	sor.u32 s14, s0;
	v2 =	vld [tilespmem:s8+$0x0]  }
0x92: {  	v3 =	vld [tilespmem:s0+$0x12300]  }
0x93: {  	v4 =	vld [tilespmem:s0+$0x12000]  }
0x94: {  	v5 =	vld [tilespmem:s0+$0x12280]  }
0x95: {  	v6 =	vld [tilespmem:s0+$0x12200]  }
0x96: {  	v7 =	vld [tilespmem:s0+$0x12080]  }
0x97: {  	v8 =	vld [tilespmem:s0+$0x12180]  }
0x98: {  	v9 =	vld [tilespmem:s0+$0x12100];
	v4 =	vadd.f32 v4, v2  }
0x99: {  	s16 =	sor.u32 $0x8000, s0;
	v10 =	vld [tilespmem:s0+$0x12380]  }
0x9a: {  	s18 =	sor.u32 $0xA000, s0;
	[tilespmem:s16+$0x0] =	vst.add.f32.msk $0xffff, v4  }
0x9b: {  	s31 =	sor.u32 $0xC000, s0;
	[tilespmem:s18+$0x0] =	vst.add.f32.msk $0xffff, v4  }
0x9c: {  	s4 =	sor.u32 $0xE000, s0;
	v7 =	vadd.f32 v7, v2;
	[tilespmem:s31+$0x0] =	vst.add.f32.msk $0xffff, v4  }
0x9d: {  	s5 =	sor.u32 $0x8080, s0;
	[tilespmem:s4+$0x0] =	vst.add.f32.msk $0xffff, v4  }
0x9e: {  	s8 =	sor.u32 $0xA080, s0;
	[tilespmem:s5+$0x0] =	vst.add.f32.msk $0xffff, v7  }
0x9f: {  	s14 =	sor.u32 $0xC080, s0;
	[tilespmem:s8+$0x0] =	vst.add.f32.msk $0xffff, v7  }
0xa0: {  	v61 =	vadd.f32 v9, v2;
	s16 =	sor.u32 $0xE080, s0;
	[tilespmem:s14+$0x0] =	vst.add.f32.msk $0xffff, v7  }
0xa1: {  	s18 =	sor.u32 $0x8100, s0;
	[tilespmem:s16+$0x0] =	vst.add.f32.msk $0xffff, v7  }
0xa2: {  	s31 =	sor.u32 $0xA100, s0;
	[tilespmem:s18+$0x0] =	vst.add.f32.msk $0xffff, v61  }
0xa3: {  	s4 =	sor.u32 $0xC100, s0;
	[tilespmem:s31+$0x0] =	vst.add.f32.msk $0xffff, v61  }
0xa4: {  	v62 =	vadd.f32 v8, v2;
	s5 =	sor.u32 $0xE100, s0;
	[tilespmem:s4+$0x0] =	vst.add.f32.msk $0xffff, v61  }
0xa5: {  	s8 =	sor.u32 $0x8180, s0;
	[tilespmem:s5+$0x0] =	vst.add.f32.msk $0xffff, v61  }
0xa6: {  	s14 =	sor.u32 $0xA180, s0;
	[tilespmem:s8+$0x0] =	vst.add.f32.msk $0xffff, v62  }
0xa7: {  	s16 =	sor.u32 $0xC180, s0;
	[tilespmem:s14+$0x0] =	vst.add.f32.msk $0xffff, v62  }
0xa8: {  	v63 =	vadd.f32 v6, v2;
	s18 =	sor.u32 $0xE180, s0;
	[tilespmem:s16+$0x0] =	vst.add.f32.msk $0xffff, v62  }
0xa9: {  	s31 =	sor.u32 $0x8200, s0;
	[tilespmem:s18+$0x0] =	vst.add.f32.msk $0xffff, v62  }
0xaa: {  	s4 =	sor.u32 $0xA200, s0;
	[tilespmem:s31+$0x0] =	vst.add.f32.msk $0xffff, v63  }
0xab: {  	s5 =	sor.u32 $0xC200, s0;
	[tilespmem:s4+$0x0] =	vst.add.f32.msk $0xffff, v63  }
0xac: {  	v5 =	vadd.f32 v5, v2;
	s8 =	sor.u32 $0xE200, s0;
	[tilespmem:s5+$0x0] =	vst.add.f32.msk $0xffff, v63  }
0xad: {  	s14 =	sor.u32 $0x8280, s0;
	[tilespmem:s8+$0x0] =	vst.add.f32.msk $0xffff, v63  }
0xae: {  	s16 =	sor.u32 $0xA280, s0;
	[tilespmem:s14+$0x0] =	vst.add.f32.msk $0xffff, v5  }
0xaf: {  	s18 =	sor.u32 $0xC280, s0;
	[tilespmem:s16+$0x0] =	vst.add.f32.msk $0xffff, v5  }
0xb0: {  	v3 =	vadd.f32 v3, v2;
	s31 =	sor.u32 $0xE280, s0;
	[tilespmem:s18+$0x0] =	vst.add.f32.msk $0xffff, v5  }
0xb1: {  	s4 =	sor.u32 $0x8300, s0;
	[tilespmem:s31+$0x0] =	vst.add.f32.msk $0xffff, v5  }
0xb2: {  	s5 =	sor.u32 $0xA300, s0;
	[tilespmem:s4+$0x0] =	vst.add.f32.msk $0xffff, v3  }
0xb3: {  	s8 =	sor.u32 $0xC300, s0;
	[tilespmem:s5+$0x0] =	vst.add.f32.msk $0xffff, v3  }
0xb4: {  	v2 =	vadd.f32 v10, v2;
	s14 =	sor.u32 $0xE300, s0;
	[tilespmem:s8+$0x0] =	vst.add.f32.msk $0xffff, v3  }
0xb5: {  	s16 =	sor.u32 $0x8380, s0;
	[tilespmem:s14+$0x0] =	vst.add.f32.msk $0xffff, v3  }
0xb6: {  	s18 =	sor.u32 $0xA380, s0;
	[tilespmem:s16+$0x0] =	vst.add.f32.msk $0xffff, v2  }
0xb7: {  	s31 =	sor.u32 $0xC380, s0;
	s4 =	simm.s32 $0x14010;
	[tilespmem:s18+$0x0] =	vst.add.f32.msk $0xffff, v2  }
0xb8: {  	s5 =	sor.u32 $0xE380, s0;
	s0 =	simm.s32 $0x80;
	s14 =	simm.s32 $0x10;
	[tilespmem:s31+$0x0] =	vst.add.f32.msk $0xffff, v2  }
.LBB2_5:
0xb9: {  	s2 =	smov.u32 s14  }
0xba: {  	s8 =	sand.u32 $0x70, s14;
	s16 =	sand.u32 $0x1C00, s0;
	[tilespmem:s5+$0x0] =	vst.add.f32.msk $0xffff, v2;
	s2 =	sadd.s32 $0x10, s14  }
0xbb: {  	p0 =	sne.s32 s14, $0x3F0;
	s5 =	sor.u32 s8, s16;
	v2 =	vld [tilespmem:s4+$0x0]  }
0xbc: {  	v3 =	vld [tilespmem:s5+$0x12300]  }
0xbd: {  	v4 =	vld [tilespmem:s5+$0x12000]  }
0xbe: {  	v5 =	vld [tilespmem:s5+$0x12280]  }
0xbf: {  	v6 =	vld [tilespmem:s5+$0x12200]  }
0xc0: {  	v7 =	vld [tilespmem:s5+$0x12080]  }
0xc1: {  	v8 =	vld [tilespmem:s5+$0x12180]  }
0xc2: {  	v4 =	vadd.f32 v4, v2;
	v9 =	vld [tilespmem:s5+$0x12100]  }
0xc3: {  	s8 =	sor.u32 $0x8000, s5;
	v10 =	vld [tilespmem:s5+$0x12380]  }
0xc4: {  	[tilespmem:s8+$0x0] =	vst.add.f32.msk $0xffff, v4;
	s8 =	sor.u32 $0xA000, s5  }
0xc5: {  	[tilespmem:s8+$0x0] =	vst.add.f32.msk $0xffff, v4;
	s8 =	sor.u32 $0xC000, s5  }
0xc6: {  	v7 =	vadd.f32 v7, v2;
	[tilespmem:s8+$0x0] =	vst.add.f32.msk $0xffff, v4;
	s8 =	sor.u32 $0xE000, s5  }
0xc7: {  	[tilespmem:s8+$0x0] =	vst.add.f32.msk $0xffff, v4;
	s8 =	sor.u32 $0x8080, s5  }
0xc8: {  	[tilespmem:s8+$0x0] =	vst.add.f32.msk $0xffff, v7;
	s8 =	sor.u32 $0xA080, s5  }
0xc9: {  	[tilespmem:s8+$0x0] =	vst.add.f32.msk $0xffff, v7;
	s8 =	sor.u32 $0xC080, s5  }
0xca: {  	v4 =	vadd.f32 v9, v2;
	[tilespmem:s8+$0x0] =	vst.add.f32.msk $0xffff, v7;
	s8 =	sor.u32 $0xE080, s5  }
0xcb: {  	[tilespmem:s8+$0x0] =	vst.add.f32.msk $0xffff, v7;
	s8 =	sor.u32 $0x8100, s5  }
0xcc: {  	[tilespmem:s8+$0x0] =	vst.add.f32.msk $0xffff, v4;
	s8 =	sor.u32 $0xA100, s5  }
0xcd: {  	[tilespmem:s8+$0x0] =	vst.add.f32.msk $0xffff, v4;
	s8 =	sor.u32 $0xC100, s5  }
0xce: {  	v7 =	vadd.f32 v8, v2;
	[tilespmem:s8+$0x0] =	vst.add.f32.msk $0xffff, v4;
	s8 =	sor.u32 $0xE100, s5  }
0xcf: {  	[tilespmem:s8+$0x0] =	vst.add.f32.msk $0xffff, v4;
	s8 =	sor.u32 $0x8180, s5  }
0xd0: {  	[tilespmem:s8+$0x0] =	vst.add.f32.msk $0xffff, v7;
	s8 =	sor.u32 $0xA180, s5  }
0xd1: {  	[tilespmem:s8+$0x0] =	vst.add.f32.msk $0xffff, v7;
	s8 =	sor.u32 $0xC180, s5  }
0xd2: {  	v4 =	vadd.f32 v6, v2;
	[tilespmem:s8+$0x0] =	vst.add.f32.msk $0xffff, v7;
	s8 =	sor.u32 $0xE180, s5  }
0xd3: {  	[tilespmem:s8+$0x0] =	vst.add.f32.msk $0xffff, v7;
	s8 =	sor.u32 $0x8200, s5  }
0xd4: {  	[tilespmem:s8+$0x0] =	vst.add.f32.msk $0xffff, v4;
	s8 =	sor.u32 $0xA200, s5  }
0xd5: {  	[tilespmem:s8+$0x0] =	vst.add.f32.msk $0xffff, v4;
	s8 =	sor.u32 $0xC200, s5  }
0xd6: {  	v5 =	vadd.f32 v5, v2;
	[tilespmem:s8+$0x0] =	vst.add.f32.msk $0xffff, v4;
	s8 =	sor.u32 $0xE200, s5  }
0xd7: {  	[tilespmem:s8+$0x0] =	vst.add.f32.msk $0xffff, v4;
	s8 =	sor.u32 $0x8280, s5  }
0xd8: {  	[tilespmem:s8+$0x0] =	vst.add.f32.msk $0xffff, v5;
	s8 =	sor.u32 $0xA280, s5  }
0xd9: {  	[tilespmem:s8+$0x0] =	vst.add.f32.msk $0xffff, v5;
	s8 =	sor.u32 $0xC280, s5  }
0xda: {  	v3 =	vadd.f32 v3, v2;
	[tilespmem:s8+$0x0] =	vst.add.f32.msk $0xffff, v5;
	s8 =	sor.u32 $0xE280, s5  }
0xdb: {  	[tilespmem:s8+$0x0] =	vst.add.f32.msk $0xffff, v5;
	s8 =	sor.u32 $0x8300, s5  }
0xdc: {  	[tilespmem:s8+$0x0] =	vst.add.f32.msk $0xffff, v3;
	s8 =	sor.u32 $0xA300, s5  }
0xdd: {  	[tilespmem:s8+$0x0] =	vst.add.f32.msk $0xffff, v3;
	s8 =	sor.u32 $0xC300, s5  }
.Ltmp1:
0xde: {  	v2 =	vadd.f32 v10, v2;
	[tilespmem:s8+$0x0] =	vst.add.f32.msk $0xffff, v3;
	s8 =	sor.u32 $0xE300, s5;
	(pc) =	sbr.rel @p0 .LBB2_5-.Ltmp1, $4  }
0xdf: {  	[tilespmem:s8+$0x0] =	vst.add.f32.msk $0xffff, v3;
	s8 =	sor.u32 $0x8380, s5  }
0xe0: {  	[tilespmem:s8+$0x0] =	vst.add.f32.msk $0xffff, v2;
	s8 =	sor.u32 $0xA380, s5  }
0xe1: {  	s0 =	sadd.s32 $0x80, s0;
	[tilespmem:s8+$0x0] =	vst.add.f32.msk $0xffff, v2;
	s8 =	sor.u32 $0xC380, s5  }
0xe2: {  	s4 =	sadd.s32 $0x10, s4;
	s14 =	smov.u32 s2;
	s5 =	sor.u32 $0xE380, s5;
	[tilespmem:s8+$0x0] =	vst.add.f32.msk $0xffff, v2  }
0xe3: {  	s29 =	sadd.s32 $0x1, s29  }
0xe4: {  	p0 =	sne.s32 s29, $0x8  }
.Ltmp2:
0xe5: {  	_ = 	snop;
	(pc) =	sbr.rel @p0 .LBB2_2-.Ltmp2, $3  }
0xe6: {  	_ =	sdelay $0x1  }
0xe7: {  	[tilespmem:s5+$0x0] =	vst.add.f32.msk $0xffff, v2;
	s0 =	sadd.s32 s6, s30  }
0xe8: {  	[hbm4b:s0+s19] =	stream.strided.scatter [tilespmem:s22], [sflag:$0x4], $0x8000, s20, s19, $0x38;
	[tilespmem:$0x14480] =	vst v63  }
0xe9: {  	s28 =	sadd.s32 $0x1, s28  }
0xea: {  	p0 =	sne.s32 s28, s13  }
.Ltmp3:
0xeb: {  	_ = 	snop;
	(pc) =	sbr.rel @p0 .LBB2_1-.Ltmp3, $4  }
0xec: {  	_ = 	snop  }
0xed: {  	_ =	swait.ge [sflag:s26], $0x8000  }
0xee: {  	[sflag:s26] =	ssyncset.done $0x0  }
0xef: {  	[sflag:s26] =	ssyncadd.s32 $0xFFFF8000  }
0xf0: {  	_ =	sfence.sel $0x180000  }
0xf1: {  	[bflag:$0x0] =	sbarrier.arrive $0xFFFF  }
0xf2: {  	_ =	strace $0x90000047  }
0xf3: {  	s0 =	stileid.u32;
	[bflag:$0x2] =	sbarrier.arrive $0xFFFF  }
0xf4: {  	p0 =	sne.s32 s0, $0x0;
	s0 =	rddreg [dreg:$0x5]  }
0xf5: {  	s0 =	sadd.s32 @!p0 $0x100000, s0  }
0xf6: {  	[sflag:s0] =	ssyncadd.tile.s32 @!p0 $0x1;
	_ =	shalt  }
.Lfunc_end2:
_tile_overlayer_lowered:
.L_overlay_start_2:
0xf7: {  	(tag) =	ssettag $0x2  }
0xf8: {  	s0 =	rddreg [dreg:$0x0];
	s2 =	stileid.u32  }
0xf9: {  	s1 =	rddreg [dreg:$0x1];
	p0 =	sne.s32 s2, $0x0  }
0xfa: {  	s3 =	rddreg [dreg:$0x2];
	[bflag:$0x3] =	sbarrier.arrive $0xFFFF;
	s2 =	simm.s32 @!p0 $0x1C06  }
0xfb: {  	[timem:s3], [sflag:s2] =	dma.local @!p0 [hbm:s0], s1  }
0xfc: {  	s0 =	simm.s32 @!p0 $0x6  }
0xfd: {  	_ =	swait.ge @!p0 [sflag:s0], s1  }
0xfe: {  	s1 =	ssub.s32 @!p0 $0x0, s1;
	[sflag:s0] =	ssyncset.done @!p0 $0x0  }
0xff: {  	[sflag:s0] =	ssyncadd.s32 @!p0 s1  }
0x100: {  	[bflag:$0x3] =	sbarrier.arrive $0xFFFF  }
0x101: {  	_ =	shalt  }

</sc_bundles>
